<compile_context>
chip_gen: v7x
topology: tpu7x:2x2x1
jax: 0.10.2.dev20260603
libtpu: 0.0.44.dev20260713+nightly
codegen_flags: <defaults>
</compile_context>

<pallas_src>
import functools

import jax
import jax.numpy as jnp
from jax import lax
from jax.experimental import pallas as pl
from jax.experimental.pallas import tpu as pltpu
from jax.experimental.pallas import tpu_sc as plsc

N = 10000
E = 320000
D = 128

_NC = 2
_NS = 16
_NW = _NC * _NS
_EPT = E // _NW
_C = 40
_NBUF = 5
_NGRP = _EPT // (_C * _NBUF)
_U = 40
_NU = N // _U
_KMAX = -(-_NU // _NS)
_L = 16
_NPAD = 10240


def _arccosh(x):
    return jnp.log(x + jnp.sqrt((x - 1.0) * (x + 1.0)))


def _tangent_of(y_s):
    nsq = jnp.sum(y_s * y_s, axis=-1, keepdims=True)
    x0 = jnp.maximum(jnp.sqrt(1.0 + nsq), 1.0 + 1e-7)
    r = _arccosh(x0)
    n = jnp.sqrt(nsq)
    return r * y_s / jnp.maximum(n, 1e-7)


def _exp0_spatial(v):
    rsq = jnp.sum(v * v, axis=-1, keepdims=True)
    r = jnp.sqrt(rsq)
    safe_r = jnp.maximum(r, 1e-7)
    e = jnp.exp(r)
    sinh = 0.5 * (e - 1.0 / e)
    coef = jnp.where(r > 1e-7, sinh / safe_r, 1.0)
    return coef * v, r


def _transform_body(x_ref, w_ref, b_ref, vt_ref):
    xs = x_ref[:, 1:]
    u = _tangent_of(xs)
    vt_ref[...] = lax.dot_general(u, w_ref[...], (((1,), (1,)), ((), ())),
                                  preferred_element_type=jnp.float32) + b_ref[...]


def _tail_body(s_ref, vt_ref, c_ref, out_ref):
    vt = vt_ref[...]
    s = s_ref[pl.ds(0, N), :] + s_ref[pl.ds(N, N), :] + vt
    c = jnp.sum(c_ref[...], axis=0)
    cnt = c.reshape(_NPAD)[:N][:, None] + 1.0
    mean = s / jnp.maximum(cnt, 1.0)
    v = jnp.maximum(mean, 0.0)
    xo, _ = _exp0_spatial(v)
    x0 = jnp.sqrt(1.0 + jnp.sum(xo * xo, axis=-1, keepdims=True))
    out_ref[...] = jnp.concatenate([x0, xo], axis=-1)


def _sc_aggregate(vt, src, dst, z80):
    mesh = plsc.VectorSubcoreMesh(core_axis_name="c", subcore_axis_name="s")

    @functools.partial(
        pl.kernel,
        out_type=(jax.ShapeDtypeStruct((_NC * N, D), jnp.float32),
                  jax.ShapeDtypeStruct((_NW, _NPAD // D, D), jnp.float32)),
        mesh=mesh,
        compiler_params=pltpu.CompilerParams(needs_layout_passes=False),
        scratch_types=[
            [pltpu.VMEM((_C,), jnp.int32)] * _NBUF,
            [pltpu.VMEM((_C, D), jnp.float32)] * _NBUF,
            pltpu.VMEM((_EPT,), jnp.int32),
            pltpu.VMEM((_NPAD // D, D), jnp.float32),
            pltpu.VMEM_SHARED((N, D), jnp.float32),
            pltpu.SemaphoreType.DMA,
            pltpu.SemaphoreType.DMA,
            pltpu.SemaphoreType.DMA,
        ],
    )
    def agg(vt_hbm, src_hbm, dst_hbm, z80_hbm,
            sums_hbm, cnts_hbm,
            src_v, rows_v, dall_v, cnt_v, acc_sh,
            sem_i, sem_g, sem_s):
        cid = lax.axis_index("c")
        sid = lax.axis_index("s")
        wid = cid * _NS + sid

        pltpu.sync_copy(z80_hbm, cnt_v)
        pltpu.sync_copy(dst_hbm.at[pl.ds(wid * _EPT, _EPT)], dall_v)

        pltpu.sync_copy(z80_hbm.at[pl.ds(0, _U)], rows_v[0])
        for k in range(_KMAX):
            u = sid + _NS * k

            @pl.when(u < _NU)
            def _zero_unit():
                pltpu.sync_copy(rows_v[0], acc_sh.at[pl.ds(u * _U, _U)])

        plsc.subcore_barrier()

        for b in range(_NBUF):
            pltpu.async_copy(
                src_hbm.at[pl.ds(wid * _EPT + b * _C, _C)], src_v[b], sem_i)

        def group(g, carry):
            base0 = wid * _EPT + g * (_C * _NBUF)

            hg = []
            for b in range(_NBUF):
                @pl.when(g > 0)
                def _drain_prev(b=b):
                    pltpu.make_async_copy(
                        rows_v[b], acc_sh.at[dall_v.at[pl.ds(0, _C)]],
                        sem_s).wait()

                pltpu.make_async_copy(
                    src_hbm.at[pl.ds(base0 + b * _C, _C)], src_v[b],
                    sem_i).wait()
                hg.append(pltpu.async_copy(
                    vt_hbm.at[src_v[b]], rows_v[b], sem_g))
            for b in range(_NBUF):
                hg[b].wait()
                off = (g * _NBUF + b) * _C
                pltpu.async_copy(
                    rows_v[b], acc_sh.at[dall_v.at[pl.ds(off, _C)]],
                    sem_s, add=True)

                @pl.when(g < _NGRP - 1)
                def _prefetch_idx(b=b):
                    pltpu.async_copy(
                        src_hbm.at[pl.ds(base0 + (_NBUF + b) * _C, _C)],
                        src_v[b], sem_i)

            return carry

        lax.fori_loop(0, _NGRP, group, 0)
        for b in range(_NBUF):
            pltpu.make_async_copy(
                rows_v[b], acc_sh.at[dall_v.at[pl.ds(0, _C)]], sem_s).wait()

        one16 = jnp.ones((_L,), jnp.float32)

        def cloop(k, carry):
            dvals = dall_v[pl.ds(k * _L, _L)]
            plsc.addupdate_scatter(
                cnt_v, [lax.shift_right_logical(dvals, 7),
                        lax.bitwise_and(dvals, 127)], one16)
            return carry

        lax.fori_loop(0, _EPT // _L, cloop, 0)
        plsc.subcore_barrier()

        for k in range(_KMAX):
            u = sid + _NS * k

            @pl.when(u < _NU)
            def _write_unit():
                pltpu.sync_copy(acc_sh.at[pl.ds(u * _U, _U)], rows_v[0])
                pltpu.sync_copy(rows_v[0], sums_hbm.at[pl.ds(cid * N + u * _U, _U)])

        pltpu.sync_copy(cnt_v, cnts_hbm.at[wid])

    return agg(vt, src, dst, z80)


def kernel(x, edge_index, W, b):
    b2 = b.reshape(1, D)
    bn = 1000
    grid = N // bn

    vt = pl.pallas_call(
        _transform_body,
        grid=(grid,),
        in_specs=[
            pl.BlockSpec((bn, D + 1), lambda i: (i, 0)),
            pl.BlockSpec((D, D), lambda i: (0, 0)),
            pl.BlockSpec((1, D), lambda i: (0, 0)),
        ],
        out_specs=pl.BlockSpec((bn, D), lambda i: (i, 0)),
        out_shape=jax.ShapeDtypeStruct((N, D), jnp.float32),
    )(x, W, b2)

    z80 = jnp.zeros((_NPAD // D, D), jnp.float32)
    sums, cnts = _sc_aggregate(vt, edge_index[0], edge_index[1], z80)

    out = pl.pallas_call(
        _tail_body,
        out_shape=jax.ShapeDtypeStruct((N, D + 1), jnp.float32),
    )(sums, vt, cnts)

    return out

# --- scband reference (transcript-rebuilt; emitter-appended) ---
"""Pipeline reference for scband-hgcnblock-10574209483384 (READ-ONLY COPY).

The authoritative reference and input builder live on the scoring server;
editing this copy changes nothing except your own understanding.
"""

import jax, jax.numpy as jnp
import numpy as np

N = 10000
E = 320000
D = 128


def _proj(y):
    # Project onto the hyperboloid <x,x>_L = -1 (c=1), x0 > 0
    xs = y[..., 1:]
    x0 = jnp.sqrt(1.0 + jnp.sum(xs * xs, axis=-1, keepdims=True))
    return jnp.concatenate([x0, xs], axis=-1)


def _log0(y):
    # Log map at the origin o = (1, 0, ..., 0); returns spatial tangent coords (d-dim)
    x0 = jnp.clip(y[..., :1], 1.0 + 1e-7, None)
    xs = y[..., 1:]
    n = jnp.linalg.norm(xs, axis=-1, keepdims=True)
    r = jnp.arccosh(x0)
    return r * xs / jnp.maximum(n, 1e-7)


def _exp0(v):
    # Exp map at the origin; v is spatial tangent coords (d-dim)
    r = jnp.linalg.norm(v, axis=-1, keepdims=True)
    safe_r = jnp.maximum(r, 1e-7)
    time = jnp.cosh(r)
    coef = jnp.where(r > 1e-7, jnp.sinh(safe_r) / safe_r, 1.0)
    return jnp.concatenate([time, coef * v], axis=-1)


def setup_inputs(seed: int = 0) -> dict:
    key = jax.random.key(seed)
    k1, k2, k3, k4 = jax.random.split(key, 4)
    # node features: points on the hyperboloid, built from random spatial coords
    xs = 0.5 * jax.random.normal(k1, (N, D), dtype=jnp.float32)
    x0 = jnp.sqrt(1.0 + jnp.sum(xs * xs, axis=-1, keepdims=True))
    x = jnp.concatenate([x0, xs], axis=-1)
    edge_index = jax.random.randint(k2, (2, E), 0, N, dtype=jnp.int32)
    # HyperbolicLinear parameters (operates in tangent space at origin)
    W = jax.random.normal(k3, (D, D), dtype=jnp.float32) * (1.0 / np.sqrt(D))
    b = jax.random.normal(k4, (D,), dtype=jnp.float32) * 0.01
    return {"x": x, "edge_index": edge_index, "W": W, "b": b}


def reference(x, edge_index, W, b):
    n_nodes = x.shape[0]
    # HyperbolicLinear at origin: log -> affine -> exp
    u = _log0(_proj(x))
    y = u @ W.T + b
    x_transformed = _exp0(y)
    # add self loops
    self_idx = jnp.arange(n_nodes, dtype=edge_index.dtype)
    src = jnp.concatenate([edge_index[0], self_idx])
    dst = jnp.concatenate([edge_index[1], self_idx])
    # mean aggregation in tangent space at origin
    vt = _log0(x_transformed)
    msgs = jnp.take(vt, src, axis=0)
    summed = jax.ops.segment_sum(msgs, dst, num_segments=n_nodes)
    cnt = jax.ops.segment_sum(jnp.ones((src.shape[0], 1), dtype=msgs.dtype), dst, num_segments=n_nodes)
    mean = summed / jnp.maximum(cnt, 1.0)
    x_agg = _exp0(mean)
    # normalize_after_aggregation: project back onto the hyperboloid
    x_agg = _proj(x_agg)
    # hyperbolic ReLU at origin: log -> relu -> exp
    x_act = _exp0(jax.nn.relu(_log0(x_agg)))
    # final projection
    return _proj(x_act)

if __name__ == "__main__":
    import jax
    _d = setup_inputs()
    print(jax.jit(kernel)(*tuple(_d.values())))

</pallas_src>

<mosaic_0001>
#map = affine_map<(d0, d1) -> (0, 0)>
#map1 = affine_map<(d0, d1) -> (0)>
#map2 = affine_map<(d0, d1) -> (0, 0, 0)>
module attributes {stable_mosaic.version = 14 : i64} {
  func.func @agg(%arg0: i32, %arg1: i32, %arg2: memref<10000x128xf32, #tpu.memory_space<hbm>>, %arg3: memref<320000xi32, #tpu.memory_space<hbm>>, %arg4: memref<320000xi32, #tpu.memory_space<hbm>>, %arg5: memref<80x128xf32, #tpu.memory_space<hbm>>, %arg6: memref<20000x128xf32, #tpu.memory_space<hbm>>, %arg7: memref<32x80x128xf32, #tpu.memory_space<hbm>>, %arg8: memref<40xi32, #tpu.memory_space<vmem>>, %arg9: memref<40xi32, #tpu.memory_space<vmem>>, %arg10: memref<40xi32, #tpu.memory_space<vmem>>, %arg11: memref<40xi32, #tpu.memory_space<vmem>>, %arg12: memref<40xi32, #tpu.memory_space<vmem>>, %arg13: memref<40x128xf32, #tpu.memory_space<vmem>>, %arg14: memref<40x128xf32, #tpu.memory_space<vmem>>, %arg15: memref<40x128xf32, #tpu.memory_space<vmem>>, %arg16: memref<40x128xf32, #tpu.memory_space<vmem>>, %arg17: memref<40x128xf32, #tpu.memory_space<vmem>>, %arg18: memref<10000xi32, #tpu.memory_space<vmem>>, %arg19: memref<80x128xf32, #tpu.memory_space<vmem>>, %arg20: memref<10000x128xf32, #tpu.memory_space<vmem_shared>>, %arg21: memref<!tpu.dma_semaphore, #tpu.memory_space<semaphore_mem>>, %arg22: memref<!tpu.dma_semaphore, #tpu.memory_space<semaphore_mem>>, %arg23: memref<!tpu.dma_semaphore, #tpu.memory_space<semaphore_mem>>) attributes {dimension_semantics = [#tpu.dimension_semantics<core_parallel>, #tpu.dimension_semantics<subcore_parallel>], iteration_bounds = array<i64: 2, 16>, scalar_prefetch = 0 : i64, scratch_operands = 16 : i64, tpu.core_type = #tpu.core_type<sc_vector_subcore>, window_params = [{transform_indices = #map}, {transform_indices = #map1}, {transform_indices = #map1}, {transform_indices = #map}, {transform_indices = #map}, {transform_indices = #map2}]} {
    %mul3A = arith.constant 16 : i32
    %mul3A_0 = arith.muli %arg0, %mul3A : i32
    %add3A = arith.addi %mul3A_0, %arg1 : i32
    "tpu.region"() ({
      %run_scoped3A = tpu.sem_alloc : memref<!tpu.dma_semaphore, #tpu.memory_space<semaphore_mem>>
      tpu.enqueue_dma source(%arg5 : memref<80x128xf32, #tpu.memory_space<hbm>>) target(%arg19 : memref<80x128xf32, #tpu.memory_space<vmem>>) target_semaphore(%run_scoped3A : memref<!tpu.dma_semaphore, #tpu.memory_space<semaphore_mem>>)
      tpu.wait_dma2 semaphore(%run_scoped3A : memref<!tpu.dma_semaphore, #tpu.memory_space<semaphore_mem>>) src(%arg5 : memref<80x128xf32, #tpu.memory_space<hbm>>) dst(%arg19 : memref<80x128xf32, #tpu.memory_space<vmem>>)
      tpu.yield
    }) : () -> ()
    %mul3A_1 = arith.constant 10000 : i32
    %mul3A_2 = arith.muli %add3A, %mul3A_1 : i32
    "tpu.region"() ({
      %run_scoped3A = tpu.sem_alloc : memref<!tpu.dma_semaphore, #tpu.memory_space<semaphore_mem>>
      %dma_start3A_290 = tpu.memref_slice %arg4[%mul3A_2] : memref<320000xi32, #tpu.memory_space<hbm>> -> memref<10000xi32, #tpu.memory_space<hbm>>
      %dma_start3A_291 = tpu.memref_slice %arg4[%mul3A_2] : memref<320000xi32, #tpu.memory_space<hbm>> -> memref<10000xi32, #tpu.memory_space<hbm>>
      tpu.enqueue_dma source(%dma_start3A_291 : memref<10000xi32, #tpu.memory_space<hbm>>) target(%arg18 : memref<10000xi32, #tpu.memory_space<vmem>>) target_semaphore(%run_scoped3A : memref<!tpu.dma_semaphore, #tpu.memory_space<semaphore_mem>>)
      %dma_wait3A_292 = tpu.memref_slice %arg4[%mul3A_2] : memref<320000xi32, #tpu.memory_space<hbm>> -> memref<10000xi32, #tpu.memory_space<hbm>>
      %dma_wait3A_293 = tpu.memref_slice %arg4[%mul3A_2] : memref<320000xi32, #tpu.memory_space<hbm>> -> memref<10000xi32, #tpu.memory_space<hbm>>
      tpu.wait_dma2 semaphore(%run_scoped3A : memref<!tpu.dma_semaphore, #tpu.memory_space<semaphore_mem>>) src(%dma_wait3A_293 : memref<10000xi32, #tpu.memory_space<hbm>>) dst(%arg18 : memref<10000xi32, #tpu.memory_space<vmem>>)
      tpu.yield
    }) : () -> ()
    "tpu.region"() ({
      %run_scoped3A = tpu.sem_alloc : memref<!tpu.dma_semaphore, #tpu.memory_space<semaphore_mem>>
      %dma_start3A_290 = arith.constant 0 : i32
      %dma_start3A_291 = arith.constant 0 : i32
      %dma_start3A_292 = tpu.memref_slice %arg5[%dma_start3A_290, %dma_start3A_291] : memref<80x128xf32, #tpu.memory_space<hbm>> -> memref<40x128xf32, #tpu.memory_space<hbm>>
      %dma_start3A_293 = arith.constant 0 : i32
      %dma_start3A_294 = arith.constant 0 : i32
      %dma_start3A_295 = tpu.memref_slice %arg5[%dma_start3A_293, %dma_start3A_294] : memref<80x128xf32, #tpu.memory_space<hbm>> -> memref<40x128xf32, #tpu.memory_space<hbm>>
      tpu.enqueue_dma source(%dma_start3A_295 : memref<40x128xf32, #tpu.memory_space<hbm>>) target(%arg13 : memref<40x128xf32, #tpu.memory_space<vmem>>) target_semaphore(%run_scoped3A : memref<!tpu.dma_semaphore, #tpu.memory_space<semaphore_mem>>)
      %dma_wait3A_296 = arith.constant 0 : i32
      %dma_wait3A_297 = arith.constant 0 : i32
      %dma_wait3A_298 = tpu.memref_slice %arg5[%dma_wait3A_296, %dma_wait3A_297] : memref<80x128xf32, #tpu.memory_space<hbm>> -> memref<40x128xf32, #tpu.memory_space<hbm>>
      %dma_wait3A_299 = arith.constant 0 : i32
      %dma_wait3A_300 = arith.constant 0 : i32
      %dma_wait3A_301 = tpu.memref_slice %arg5[%dma_wait3A_299, %dma_wait3A_300] : memref<80x128xf32, #tpu.memory_space<hbm>> -> memref<40x128xf32, #tpu.memory_space<hbm>>
      tpu.wait_dma2 semaphore(%run_scoped3A : memref<!tpu.dma_semaphore, #tpu.memory_space<semaphore_mem>>) src(%dma_wait3A_301 : memref<40x128xf32, #tpu.memory_space<hbm>>) dst(%arg13 : memref<40x128xf32, #tpu.memory_space<vmem>>)
      tpu.yield
    }) : () -> ()
    %add3A_3 = arith.constant 0 : i32
    %add3A_4 = arith.addi %arg1, %add3A_3 : i32
    %lt3A = arith.constant 250 : i32
    %lt3A_5 = arith.cmpi slt, %add3A_4, %lt3A : i32
    %convert_element_type3A = arith.extui %lt3A_5 : i1 to i32
    %cond3A = arith.constant 0 : i32
    %cond3A_6 = arith.cmpi ne, %convert_element_type3A, %cond3A : i32
    scf.if %cond3A_6 {
      %mul3A_290 = arith.constant 40 : i32
      %mul3A_291 = arith.muli %add3A_4, %mul3A_290 : i32
      "tpu.region"() ({
        %run_scoped3A = tpu.sem_alloc : memref<!tpu.dma_semaphore, #tpu.memory_space<semaphore_mem>>
        %dma_start3A_292 = arith.constant 0 : i32
        %dma_start3A_293 = tpu.memref_slice %arg20[%mul3A_291, %dma_start3A_292] : memref<10000x128xf32, #tpu.memory_space<vmem_shared>> -> memref<40x128xf32, #tpu.memory_space<vmem_shared>>
        %dma_start3A_294 = arith.constant 0 : i32
        %dma_start3A_295 = tpu.memref_slice %arg20[%mul3A_291, %dma_start3A_294] : memref<10000x128xf32, #tpu.memory_space<vmem_shared>> -> memref<40x128xf32, #tpu.memory_space<vmem_shared>>
        tpu.enqueue_dma source(%arg13 : memref<40x128xf32, #tpu.memory_space<vmem>>) target(%dma_start3A_295 : memref<40x128xf32, #tpu.memory_space<vmem_shared>>) target_semaphore(%run_scoped3A : memref<!tpu.dma_semaphore, #tpu.memory_space<semaphore_mem>>)
        %dma_wait3A_296 = arith.constant 0 : i32
        %dma_wait3A_297 = tpu.memref_slice %arg20[%mul3A_291, %dma_wait3A_296] : memref<10000x128xf32, #tpu.memory_space<vmem_shared>> -> memref<40x128xf32, #tpu.memory_space<vmem_shared>>
        %dma_wait3A_298 = arith.constant 0 : i32
        %dma_wait3A_299 = tpu.memref_slice %arg20[%mul3A_291, %dma_wait3A_298] : memref<10000x128xf32, #tpu.memory_space<vmem_shared>> -> memref<40x128xf32, #tpu.memory_space<vmem_shared>>
        tpu.wait_dma2 semaphore(%run_scoped3A : memref<!tpu.dma_semaphore, #tpu.memory_space<semaphore_mem>>) src(%arg13 : memref<40x128xf32, #tpu.memory_space<vmem>>) dst(%dma_wait3A_299 : memref<40x128xf32, #tpu.memory_space<vmem_shared>>)
        tpu.yield
      }) : () -> ()
    } else {
    }
    %add3A_7 = arith.constant 16 : i32
    %add3A_8 = arith.addi %arg1, %add3A_7 : i32
    %lt3A_9 = arith.constant 250 : i32
    %lt3A_10 = arith.cmpi slt, %add3A_8, %lt3A_9 : i32
    %convert_element_type3A_11 = arith.extui %lt3A_10 : i1 to i32
    %cond3A_12 = arith.constant 0 : i32
    %cond3A_13 = arith.cmpi ne, %convert_element_type3A_11, %cond3A_12 : i32
    scf.if %cond3A_13 {
      %mul3A_290 = arith.constant 40 : i32
      %mul3A_291 = arith.muli %add3A_8, %mul3A_290 : i32
      "tpu.region"() ({
        %run_scoped3A = tpu.sem_alloc : memref<!tpu.dma_semaphore, #tpu.memory_space<semaphore_mem>>
        %dma_start3A_292 = arith.constant 0 : i32
        %dma_start3A_293 = tpu.memref_slice %arg20[%mul3A_291, %dma_start3A_292] : memref<10000x128xf32, #tpu.memory_space<vmem_shared>> -> memref<40x128xf32, #tpu.memory_space<vmem_shared>>
        %dma_start3A_294 = arith.constant 0 : i32
        %dma_start3A_295 = tpu.memref_slice %arg20[%mul3A_291, %dma_start3A_294] : memref<10000x128xf32, #tpu.memory_space<vmem_shared>> -> memref<40x128xf32, #tpu.memory_space<vmem_shared>>
        tpu.enqueue_dma source(%arg13 : memref<40x128xf32, #tpu.memory_space<vmem>>) target(%dma_start3A_295 : memref<40x128xf32, #tpu.memory_space<vmem_shared>>) target_semaphore(%run_scoped3A : memref<!tpu.dma_semaphore, #tpu.memory_space<semaphore_mem>>)
        %dma_wait3A_296 = arith.constant 0 : i32
        %dma_wait3A_297 = tpu.memref_slice %arg20[%mul3A_291, %dma_wait3A_296] : memref<10000x128xf32, #tpu.memory_space<vmem_shared>> -> memref<40x128xf32, #tpu.memory_space<vmem_shared>>
        %dma_wait3A_298 = arith.constant 0 : i32
        %dma_wait3A_299 = tpu.memref_slice %arg20[%mul3A_291, %dma_wait3A_298] : memref<10000x128xf32, #tpu.memory_space<vmem_shared>> -> memref<40x128xf32, #tpu.memory_space<vmem_shared>>
        tpu.wait_dma2 semaphore(%run_scoped3A : memref<!tpu.dma_semaphore, #tpu.memory_space<semaphore_mem>>) src(%arg13 : memref<40x128xf32, #tpu.memory_space<vmem>>) dst(%dma_wait3A_299 : memref<40x128xf32, #tpu.memory_space<vmem_shared>>)
        tpu.yield
      }) : () -> ()
    } else {
    }
    %add3A_14 = arith.constant 32 : i32
    %add3A_15 = arith.addi %arg1, %add3A_14 : i32
    %lt3A_16 = arith.constant 250 : i32
    %lt3A_17 = arith.cmpi slt, %add3A_15, %lt3A_16 : i32
    %convert_element_type3A_18 = arith.extui %lt3A_17 : i1 to i32
    %cond3A_19 = arith.constant 0 : i32
    %cond3A_20 = arith.cmpi ne, %convert_element_type3A_18, %cond3A_19 : i32
    scf.if %cond3A_20 {
      %mul3A_290 = arith.constant 40 : i32
      %mul3A_291 = arith.muli %add3A_15, %mul3A_290 : i32
      "tpu.region"() ({
        %run_scoped3A = tpu.sem_alloc : memref<!tpu.dma_semaphore, #tpu.memory_space<semaphore_mem>>
        %dma_start3A_292 = arith.constant 0 : i32
        %dma_start3A_293 = tpu.memref_slice %arg20[%mul3A_291, %dma_start3A_292] : memref<10000x128xf32, #tpu.memory_space<vmem_shared>> -> memref<40x128xf32, #tpu.memory_space<vmem_shared>>
        %dma_start3A_294 = arith.constant 0 : i32
        %dma_start3A_295 = tpu.memref_slice %arg20[%mul3A_291, %dma_start3A_294] : memref<10000x128xf32, #tpu.memory_space<vmem_shared>> -> memref<40x128xf32, #tpu.memory_space<vmem_shared>>
        tpu.enqueue_dma source(%arg13 : memref<40x128xf32, #tpu.memory_space<vmem>>) target(%dma_start3A_295 : memref<40x128xf32, #tpu.memory_space<vmem_shared>>) target_semaphore(%run_scoped3A : memref<!tpu.dma_semaphore, #tpu.memory_space<semaphore_mem>>)
        %dma_wait3A_296 = arith.constant 0 : i32
        %dma_wait3A_297 = tpu.memref_slice %arg20[%mul3A_291, %dma_wait3A_296] : memref<10000x128xf32, #tpu.memory_space<vmem_shared>> -> memref<40x128xf32, #tpu.memory_space<vmem_shared>>
        %dma_wait3A_298 = arith.constant 0 : i32
        %dma_wait3A_299 = tpu.memref_slice %arg20[%mul3A_291, %dma_wait3A_298] : memref<10000x128xf32, #tpu.memory_space<vmem_shared>> -> memref<40x128xf32, #tpu.memory_space<vmem_shared>>
        tpu.wait_dma2 semaphore(%run_scoped3A : memref<!tpu.dma_semaphore, #tpu.memory_space<semaphore_mem>>) src(%arg13 : memref<40x128xf32, #tpu.memory_space<vmem>>) dst(%dma_wait3A_299 : memref<40x128xf32, #tpu.memory_space<vmem_shared>>)
        tpu.yield
      }) : () -> ()
    } else {
    }
    %add3A_21 = arith.constant 48 : i32
    %add3A_22 = arith.addi %arg1, %add3A_21 : i32
    %lt3A_23 = arith.constant 250 : i32
    %lt3A_24 = arith.cmpi slt, %add3A_22, %lt3A_23 : i32
    %convert_element_type3A_25 = arith.extui %lt3A_24 : i1 to i32
    %cond3A_26 = arith.constant 0 : i32
    %cond3A_27 = arith.cmpi ne, %convert_element_type3A_25, %cond3A_26 : i32
    scf.if %cond3A_27 {
      %mul3A_290 = arith.constant 40 : i32
      %mul3A_291 = arith.muli %add3A_22, %mul3A_290 : i32
      "tpu.region"() ({
        %run_scoped3A = tpu.sem_alloc : memref<!tpu.dma_semaphore, #tpu.memory_space<semaphore_mem>>
        %dma_start3A_292 = arith.constant 0 : i32
        %dma_start3A_293 = tpu.memref_slice %arg20[%mul3A_291, %dma_start3A_292] : memref<10000x128xf32, #tpu.memory_space<vmem_shared>> -> memref<40x128xf32, #tpu.memory_space<vmem_shared>>
        %dma_start3A_294 = arith.constant 0 : i32
        %dma_start3A_295 = tpu.memref_slice %arg20[%mul3A_291, %dma_start3A_294] : memref<10000x128xf32, #tpu.memory_space<vmem_shared>> -> memref<40x128xf32, #tpu.memory_space<vmem_shared>>
        tpu.enqueue_dma source(%arg13 : memref<40x128xf32, #tpu.memory_space<vmem>>) target(%dma_start3A_295 : memref<40x128xf32, #tpu.memory_space<vmem_shared>>) target_semaphore(%run_scoped3A : memref<!tpu.dma_semaphore, #tpu.memory_space<semaphore_mem>>)
        %dma_wait3A_296 = arith.constant 0 : i32
        %dma_wait3A_297 = tpu.memref_slice %arg20[%mul3A_291, %dma_wait3A_296] : memref<10000x128xf32, #tpu.memory_space<vmem_shared>> -> memref<40x128xf32, #tpu.memory_space<vmem_shared>>
        %dma_wait3A_298 = arith.constant 0 : i32
        %dma_wait3A_299 = tpu.memref_slice %arg20[%mul3A_291, %dma_wait3A_298] : memref<10000x128xf32, #tpu.memory_space<vmem_shared>> -> memref<40x128xf32, #tpu.memory_space<vmem_shared>>
        tpu.wait_dma2 semaphore(%run_scoped3A : memref<!tpu.dma_semaphore, #tpu.memory_space<semaphore_mem>>) src(%arg13 : memref<40x128xf32, #tpu.memory_space<vmem>>) dst(%dma_wait3A_299 : memref<40x128xf32, #tpu.memory_space<vmem_shared>>)
        tpu.yield
      }) : () -> ()
    } else {
    }
    %add3A_28 = arith.constant 64 : i32
    %add3A_29 = arith.addi %arg1, %add3A_28 : i32
    %lt3A_30 = arith.constant 250 : i32
    %lt3A_31 = arith.cmpi slt, %add3A_29, %lt3A_30 : i32
    %convert_element_type3A_32 = arith.extui %lt3A_31 : i1 to i32
    %cond3A_33 = arith.constant 0 : i32
    %cond3A_34 = arith.cmpi ne, %convert_element_type3A_32, %cond3A_33 : i32
    scf.if %cond3A_34 {
      %mul3A_290 = arith.constant 40 : i32
      %mul3A_291 = arith.muli %add3A_29, %mul3A_290 : i32
      "tpu.region"() ({
        %run_scoped3A = tpu.sem_alloc : memref<!tpu.dma_semaphore, #tpu.memory_space<semaphore_mem>>
        %dma_start3A_292 = arith.constant 0 : i32
        %dma_start3A_293 = tpu.memref_slice %arg20[%mul3A_291, %dma_start3A_292] : memref<10000x128xf32, #tpu.memory_space<vmem_shared>> -> memref<40x128xf32, #tpu.memory_space<vmem_shared>>
        %dma_start3A_294 = arith.constant 0 : i32
        %dma_start3A_295 = tpu.memref_slice %arg20[%mul3A_291, %dma_start3A_294] : memref<10000x128xf32, #tpu.memory_space<vmem_shared>> -> memref<40x128xf32, #tpu.memory_space<vmem_shared>>
        tpu.enqueue_dma source(%arg13 : memref<40x128xf32, #tpu.memory_space<vmem>>) target(%dma_start3A_295 : memref<40x128xf32, #tpu.memory_space<vmem_shared>>) target_semaphore(%run_scoped3A : memref<!tpu.dma_semaphore, #tpu.memory_space<semaphore_mem>>)
        %dma_wait3A_296 = arith.constant 0 : i32
        %dma_wait3A_297 = tpu.memref_slice %arg20[%mul3A_291, %dma_wait3A_296] : memref<10000x128xf32, #tpu.memory_space<vmem_shared>> -> memref<40x128xf32, #tpu.memory_space<vmem_shared>>
        %dma_wait3A_298 = arith.constant 0 : i32
        %dma_wait3A_299 = tpu.memref_slice %arg20[%mul3A_291, %dma_wait3A_298] : memref<10000x128xf32, #tpu.memory_space<vmem_shared>> -> memref<40x128xf32, #tpu.memory_space<vmem_shared>>
        tpu.wait_dma2 semaphore(%run_scoped3A : memref<!tpu.dma_semaphore, #tpu.memory_space<semaphore_mem>>) src(%arg13 : memref<40x128xf32, #tpu.memory_space<vmem>>) dst(%dma_wait3A_299 : memref<40x128xf32, #tpu.memory_space<vmem_shared>>)
        tpu.yield
      }) : () -> ()
    } else {
    }
    %add3A_35 = arith.constant 80 : i32
    %add3A_36 = arith.addi %arg1, %add3A_35 : i32
    %lt3A_37 = arith.constant 250 : i32
    %lt3A_38 = arith.cmpi slt, %add3A_36, %lt3A_37 : i32
    %convert_element_type3A_39 = arith.extui %lt3A_38 : i1 to i32
    %cond3A_40 = arith.constant 0 : i32
    %cond3A_41 = arith.cmpi ne, %convert_element_type3A_39, %cond3A_40 : i32
    scf.if %cond3A_41 {
      %mul3A_290 = arith.constant 40 : i32
      %mul3A_291 = arith.muli %add3A_36, %mul3A_290 : i32
      "tpu.region"() ({
        %run_scoped3A = tpu.sem_alloc : memref<!tpu.dma_semaphore, #tpu.memory_space<semaphore_mem>>
        %dma_start3A_292 = arith.constant 0 : i32
        %dma_start3A_293 = tpu.memref_slice %arg20[%mul3A_291, %dma_start3A_292] : memref<10000x128xf32, #tpu.memory_space<vmem_shared>> -> memref<40x128xf32, #tpu.memory_space<vmem_shared>>
        %dma_start3A_294 = arith.constant 0 : i32
        %dma_start3A_295 = tpu.memref_slice %arg20[%mul3A_291, %dma_start3A_294] : memref<10000x128xf32, #tpu.memory_space<vmem_shared>> -> memref<40x128xf32, #tpu.memory_space<vmem_shared>>
        tpu.enqueue_dma source(%arg13 : memref<40x128xf32, #tpu.memory_space<vmem>>) target(%dma_start3A_295 : memref<40x128xf32, #tpu.memory_space<vmem_shared>>) target_semaphore(%run_scoped3A : memref<!tpu.dma_semaphore, #tpu.memory_space<semaphore_mem>>)
        %dma_wait3A_296 = arith.constant 0 : i32
        %dma_wait3A_297 = tpu.memref_slice %arg20[%mul3A_291, %dma_wait3A_296] : memref<10000x128xf32, #tpu.memory_space<vmem_shared>> -> memref<40x128xf32, #tpu.memory_space<vmem_shared>>
        %dma_wait3A_298 = arith.constant 0 : i32
        %dma_wait3A_299 = tpu.memref_slice %arg20[%mul3A_291, %dma_wait3A_298] : memref<10000x128xf32, #tpu.memory_space<vmem_shared>> -> memref<40x128xf32, #tpu.memory_space<vmem_shared>>
        tpu.wait_dma2 semaphore(%run_scoped3A : memref<!tpu.dma_semaphore, #tpu.memory_space<semaphore_mem>>) src(%arg13 : memref<40x128xf32, #tpu.memory_space<vmem>>) dst(%dma_wait3A_299 : memref<40x128xf32, #tpu.memory_space<vmem_shared>>)
        tpu.yield
      }) : () -> ()
    } else {
    }
    %add3A_42 = arith.constant 96 : i32
    %add3A_43 = arith.addi %arg1, %add3A_42 : i32
    %lt3A_44 = arith.constant 250 : i32
    %lt3A_45 = arith.cmpi slt, %add3A_43, %lt3A_44 : i32
    %convert_element_type3A_46 = arith.extui %lt3A_45 : i1 to i32
    %cond3A_47 = arith.constant 0 : i32
    %cond3A_48 = arith.cmpi ne, %convert_element_type3A_46, %cond3A_47 : i32
    scf.if %cond3A_48 {
      %mul3A_290 = arith.constant 40 : i32
      %mul3A_291 = arith.muli %add3A_43, %mul3A_290 : i32
      "tpu.region"() ({
        %run_scoped3A = tpu.sem_alloc : memref<!tpu.dma_semaphore, #tpu.memory_space<semaphore_mem>>
        %dma_start3A_292 = arith.constant 0 : i32
        %dma_start3A_293 = tpu.memref_slice %arg20[%mul3A_291, %dma_start3A_292] : memref<10000x128xf32, #tpu.memory_space<vmem_shared>> -> memref<40x128xf32, #tpu.memory_space<vmem_shared>>
        %dma_start3A_294 = arith.constant 0 : i32
        %dma_start3A_295 = tpu.memref_slice %arg20[%mul3A_291, %dma_start3A_294] : memref<10000x128xf32, #tpu.memory_space<vmem_shared>> -> memref<40x128xf32, #tpu.memory_space<vmem_shared>>
        tpu.enqueue_dma source(%arg13 : memref<40x128xf32, #tpu.memory_space<vmem>>) target(%dma_start3A_295 : memref<40x128xf32, #tpu.memory_space<vmem_shared>>) target_semaphore(%run_scoped3A : memref<!tpu.dma_semaphore, #tpu.memory_space<semaphore_mem>>)
        %dma_wait3A_296 = arith.constant 0 : i32
        %dma_wait3A_297 = tpu.memref_slice %arg20[%mul3A_291, %dma_wait3A_296] : memref<10000x128xf32, #tpu.memory_space<vmem_shared>> -> memref<40x128xf32, #tpu.memory_space<vmem_shared>>
        %dma_wait3A_298 = arith.constant 0 : i32
        %dma_wait3A_299 = tpu.memref_slice %arg20[%mul3A_291, %dma_wait3A_298] : memref<10000x128xf32, #tpu.memory_space<vmem_shared>> -> memref<40x128xf32, #tpu.memory_space<vmem_shared>>
        tpu.wait_dma2 semaphore(%run_scoped3A : memref<!tpu.dma_semaphore, #tpu.memory_space<semaphore_mem>>) src(%arg13 : memref<40x128xf32, #tpu.memory_space<vmem>>) dst(%dma_wait3A_299 : memref<40x128xf32, #tpu.memory_space<vmem_shared>>)
        tpu.yield
      }) : () -> ()
    } else {
    }
    %add3A_49 = arith.constant 112 : i32
    %add3A_50 = arith.addi %arg1, %add3A_49 : i32
    %lt3A_51 = arith.constant 250 : i32
    %lt3A_52 = arith.cmpi slt, %add3A_50, %lt3A_51 : i32
    %convert_element_type3A_53 = arith.extui %lt3A_52 : i1 to i32
    %cond3A_54 = arith.constant 0 : i32
    %cond3A_55 = arith.cmpi ne, %convert_element_type3A_53, %cond3A_54 : i32
    scf.if %cond3A_55 {
      %mul3A_290 = arith.constant 40 : i32
      %mul3A_291 = arith.muli %add3A_50, %mul3A_290 : i32
      "tpu.region"() ({
        %run_scoped3A = tpu.sem_alloc : memref<!tpu.dma_semaphore, #tpu.memory_space<semaphore_mem>>
        %dma_start3A_292 = arith.constant 0 : i32
        %dma_start3A_293 = tpu.memref_slice %arg20[%mul3A_291, %dma_start3A_292] : memref<10000x128xf32, #tpu.memory_space<vmem_shared>> -> memref<40x128xf32, #tpu.memory_space<vmem_shared>>
        %dma_start3A_294 = arith.constant 0 : i32
        %dma_start3A_295 = tpu.memref_slice %arg20[%mul3A_291, %dma_start3A_294] : memref<10000x128xf32, #tpu.memory_space<vmem_shared>> -> memref<40x128xf32, #tpu.memory_space<vmem_shared>>
        tpu.enqueue_dma source(%arg13 : memref<40x128xf32, #tpu.memory_space<vmem>>) target(%dma_start3A_295 : memref<40x128xf32, #tpu.memory_space<vmem_shared>>) target_semaphore(%run_scoped3A : memref<!tpu.dma_semaphore, #tpu.memory_space<semaphore_mem>>)
        %dma_wait3A_296 = arith.constant 0 : i32
        %dma_wait3A_297 = tpu.memref_slice %arg20[%mul3A_291, %dma_wait3A_296] : memref<10000x128xf32, #tpu.memory_space<vmem_shared>> -> memref<40x128xf32, #tpu.memory_space<vmem_shared>>
        %dma_wait3A_298 = arith.constant 0 : i32
        %dma_wait3A_299 = tpu.memref_slice %arg20[%mul3A_291, %dma_wait3A_298] : memref<10000x128xf32, #tpu.memory_space<vmem_shared>> -> memref<40x128xf32, #tpu.memory_space<vmem_shared>>
        tpu.wait_dma2 semaphore(%run_scoped3A : memref<!tpu.dma_semaphore, #tpu.memory_space<semaphore_mem>>) src(%arg13 : memref<40x128xf32, #tpu.memory_space<vmem>>) dst(%dma_wait3A_299 : memref<40x128xf32, #tpu.memory_space<vmem_shared>>)
        tpu.yield
      }) : () -> ()
    } else {
    }
    %add3A_56 = arith.constant 128 : i32
    %add3A_57 = arith.addi %arg1, %add3A_56 : i32
    %lt3A_58 = arith.constant 250 : i32
    %lt3A_59 = arith.cmpi slt, %add3A_57, %lt3A_58 : i32
    %convert_element_type3A_60 = arith.extui %lt3A_59 : i1 to i32
    %cond3A_61 = arith.constant 0 : i32
    %cond3A_62 = arith.cmpi ne, %convert_element_type3A_60, %cond3A_61 : i32
    scf.if %cond3A_62 {
      %mul3A_290 = arith.constant 40 : i32
      %mul3A_291 = arith.muli %add3A_57, %mul3A_290 : i32
      "tpu.region"() ({
        %run_scoped3A = tpu.sem_alloc : memref<!tpu.dma_semaphore, #tpu.memory_space<semaphore_mem>>
        %dma_start3A_292 = arith.constant 0 : i32
        %dma_start3A_293 = tpu.memref_slice %arg20[%mul3A_291, %dma_start3A_292] : memref<10000x128xf32, #tpu.memory_space<vmem_shared>> -> memref<40x128xf32, #tpu.memory_space<vmem_shared>>
        %dma_start3A_294 = arith.constant 0 : i32
        %dma_start3A_295 = tpu.memref_slice %arg20[%mul3A_291, %dma_start3A_294] : memref<10000x128xf32, #tpu.memory_space<vmem_shared>> -> memref<40x128xf32, #tpu.memory_space<vmem_shared>>
        tpu.enqueue_dma source(%arg13 : memref<40x128xf32, #tpu.memory_space<vmem>>) target(%dma_start3A_295 : memref<40x128xf32, #tpu.memory_space<vmem_shared>>) target_semaphore(%run_scoped3A : memref<!tpu.dma_semaphore, #tpu.memory_space<semaphore_mem>>)
        %dma_wait3A_296 = arith.constant 0 : i32
        %dma_wait3A_297 = tpu.memref_slice %arg20[%mul3A_291, %dma_wait3A_296] : memref<10000x128xf32, #tpu.memory_space<vmem_shared>> -> memref<40x128xf32, #tpu.memory_space<vmem_shared>>
        %dma_wait3A_298 = arith.constant 0 : i32
        %dma_wait3A_299 = tpu.memref_slice %arg20[%mul3A_291, %dma_wait3A_298] : memref<10000x128xf32, #tpu.memory_space<vmem_shared>> -> memref<40x128xf32, #tpu.memory_space<vmem_shared>>
        tpu.wait_dma2 semaphore(%run_scoped3A : memref<!tpu.dma_semaphore, #tpu.memory_space<semaphore_mem>>) src(%arg13 : memref<40x128xf32, #tpu.memory_space<vmem>>) dst(%dma_wait3A_299 : memref<40x128xf32, #tpu.memory_space<vmem_shared>>)
        tpu.yield
      }) : () -> ()
    } else {
    }
    %add3A_63 = arith.constant 144 : i32
    %add3A_64 = arith.addi %arg1, %add3A_63 : i32
    %lt3A_65 = arith.constant 250 : i32
    %lt3A_66 = arith.cmpi slt, %add3A_64, %lt3A_65 : i32
    %convert_element_type3A_67 = arith.extui %lt3A_66 : i1 to i32
    %cond3A_68 = arith.constant 0 : i32
    %cond3A_69 = arith.cmpi ne, %convert_element_type3A_67, %cond3A_68 : i32
    scf.if %cond3A_69 {
      %mul3A_290 = arith.constant 40 : i32
      %mul3A_291 = arith.muli %add3A_64, %mul3A_290 : i32
      "tpu.region"() ({
        %run_scoped3A = tpu.sem_alloc : memref<!tpu.dma_semaphore, #tpu.memory_space<semaphore_mem>>
        %dma_start3A_292 = arith.constant 0 : i32
        %dma_start3A_293 = tpu.memref_slice %arg20[%mul3A_291, %dma_start3A_292] : memref<10000x128xf32, #tpu.memory_space<vmem_shared>> -> memref<40x128xf32, #tpu.memory_space<vmem_shared>>
        %dma_start3A_294 = arith.constant 0 : i32
        %dma_start3A_295 = tpu.memref_slice %arg20[%mul3A_291, %dma_start3A_294] : memref<10000x128xf32, #tpu.memory_space<vmem_shared>> -> memref<40x128xf32, #tpu.memory_space<vmem_shared>>
        tpu.enqueue_dma source(%arg13 : memref<40x128xf32, #tpu.memory_space<vmem>>) target(%dma_start3A_295 : memref<40x128xf32, #tpu.memory_space<vmem_shared>>) target_semaphore(%run_scoped3A : memref<!tpu.dma_semaphore, #tpu.memory_space<semaphore_mem>>)
        %dma_wait3A_296 = arith.constant 0 : i32
        %dma_wait3A_297 = tpu.memref_slice %arg20[%mul3A_291, %dma_wait3A_296] : memref<10000x128xf32, #tpu.memory_space<vmem_shared>> -> memref<40x128xf32, #tpu.memory_space<vmem_shared>>
        %dma_wait3A_298 = arith.constant 0 : i32
        %dma_wait3A_299 = tpu.memref_slice %arg20[%mul3A_291, %dma_wait3A_298] : memref<10000x128xf32, #tpu.memory_space<vmem_shared>> -> memref<40x128xf32, #tpu.memory_space<vmem_shared>>
        tpu.wait_dma2 semaphore(%run_scoped3A : memref<!tpu.dma_semaphore, #tpu.memory_space<semaphore_mem>>) src(%arg13 : memref<40x128xf32, #tpu.memory_space<vmem>>) dst(%dma_wait3A_299 : memref<40x128xf32, #tpu.memory_space<vmem_shared>>)
        tpu.yield
      }) : () -> ()
    } else {
    }
    %add3A_70 = arith.constant 160 : i32
    %add3A_71 = arith.addi %arg1, %add3A_70 : i32
    %lt3A_72 = arith.constant 250 : i32
    %lt3A_73 = arith.cmpi slt, %add3A_71, %lt3A_72 : i32
    %convert_element_type3A_74 = arith.extui %lt3A_73 : i1 to i32
    %cond3A_75 = arith.constant 0 : i32
    %cond3A_76 = arith.cmpi ne, %convert_element_type3A_74, %cond3A_75 : i32
    scf.if %cond3A_76 {
      %mul3A_290 = arith.constant 40 : i32
      %mul3A_291 = arith.muli %add3A_71, %mul3A_290 : i32
      "tpu.region"() ({
        %run_scoped3A = tpu.sem_alloc : memref<!tpu.dma_semaphore, #tpu.memory_space<semaphore_mem>>
        %dma_start3A_292 = arith.constant 0 : i32
        %dma_start3A_293 = tpu.memref_slice %arg20[%mul3A_291, %dma_start3A_292] : memref<10000x128xf32, #tpu.memory_space<vmem_shared>> -> memref<40x128xf32, #tpu.memory_space<vmem_shared>>
        %dma_start3A_294 = arith.constant 0 : i32
        %dma_start3A_295 = tpu.memref_slice %arg20[%mul3A_291, %dma_start3A_294] : memref<10000x128xf32, #tpu.memory_space<vmem_shared>> -> memref<40x128xf32, #tpu.memory_space<vmem_shared>>
        tpu.enqueue_dma source(%arg13 : memref<40x128xf32, #tpu.memory_space<vmem>>) target(%dma_start3A_295 : memref<40x128xf32, #tpu.memory_space<vmem_shared>>) target_semaphore(%run_scoped3A : memref<!tpu.dma_semaphore, #tpu.memory_space<semaphore_mem>>)
        %dma_wait3A_296 = arith.constant 0 : i32
        %dma_wait3A_297 = tpu.memref_slice %arg20[%mul3A_291, %dma_wait3A_296] : memref<10000x128xf32, #tpu.memory_space<vmem_shared>> -> memref<40x128xf32, #tpu.memory_space<vmem_shared>>
        %dma_wait3A_298 = arith.constant 0 : i32
        %dma_wait3A_299 = tpu.memref_slice %arg20[%mul3A_291, %dma_wait3A_298] : memref<10000x128xf32, #tpu.memory_space<vmem_shared>> -> memref<40x128xf32, #tpu.memory_space<vmem_shared>>
        tpu.wait_dma2 semaphore(%run_scoped3A : memref<!tpu.dma_semaphore, #tpu.memory_space<semaphore_mem>>) src(%arg13 : memref<40x128xf32, #tpu.memory_space<vmem>>) dst(%dma_wait3A_299 : memref<40x128xf32, #tpu.memory_space<vmem_shared>>)
        tpu.yield
      }) : () -> ()
    } else {
    }
    %add3A_77 = arith.constant 176 : i32
    %add3A_78 = arith.addi %arg1, %add3A_77 : i32
    %lt3A_79 = arith.constant 250 : i32
    %lt3A_80 = arith.cmpi slt, %add3A_78, %lt3A_79 : i32
    %convert_element_type3A_81 = arith.extui %lt3A_80 : i1 to i32
    %cond3A_82 = arith.constant 0 : i32
    %cond3A_83 = arith.cmpi ne, %convert_element_type3A_81, %cond3A_82 : i32
    scf.if %cond3A_83 {
      %mul3A_290 = arith.constant 40 : i32
      %mul3A_291 = arith.muli %add3A_78, %mul3A_290 : i32
      "tpu.region"() ({
        %run_scoped3A = tpu.sem_alloc : memref<!tpu.dma_semaphore, #tpu.memory_space<semaphore_mem>>
        %dma_start3A_292 = arith.constant 0 : i32
        %dma_start3A_293 = tpu.memref_slice %arg20[%mul3A_291, %dma_start3A_292] : memref<10000x128xf32, #tpu.memory_space<vmem_shared>> -> memref<40x128xf32, #tpu.memory_space<vmem_shared>>
        %dma_start3A_294 = arith.constant 0 : i32
        %dma_start3A_295 = tpu.memref_slice %arg20[%mul3A_291, %dma_start3A_294] : memref<10000x128xf32, #tpu.memory_space<vmem_shared>> -> memref<40x128xf32, #tpu.memory_space<vmem_shared>>
        tpu.enqueue_dma source(%arg13 : memref<40x128xf32, #tpu.memory_space<vmem>>) target(%dma_start3A_295 : memref<40x128xf32, #tpu.memory_space<vmem_shared>>) target_semaphore(%run_scoped3A : memref<!tpu.dma_semaphore, #tpu.memory_space<semaphore_mem>>)
        %dma_wait3A_296 = arith.constant 0 : i32
        %dma_wait3A_297 = tpu.memref_slice %arg20[%mul3A_291, %dma_wait3A_296] : memref<10000x128xf32, #tpu.memory_space<vmem_shared>> -> memref<40x128xf32, #tpu.memory_space<vmem_shared>>
        %dma_wait3A_298 = arith.constant 0 : i32
        %dma_wait3A_299 = tpu.memref_slice %arg20[%mul3A_291, %dma_wait3A_298] : memref<10000x128xf32, #tpu.memory_space<vmem_shared>> -> memref<40x128xf32, #tpu.memory_space<vmem_shared>>
        tpu.wait_dma2 semaphore(%run_scoped3A : memref<!tpu.dma_semaphore, #tpu.memory_space<semaphore_mem>>) src(%arg13 : memref<40x128xf32, #tpu.memory_space<vmem>>) dst(%dma_wait3A_299 : memref<40x128xf32, #tpu.memory_space<vmem_shared>>)
        tpu.yield
      }) : () -> ()
    } else {
    }
    %add3A_84 = arith.constant 192 : i32
    %add3A_85 = arith.addi %arg1, %add3A_84 : i32
    %lt3A_86 = arith.constant 250 : i32
    %lt3A_87 = arith.cmpi slt, %add3A_85, %lt3A_86 : i32
    %convert_element_type3A_88 = arith.extui %lt3A_87 : i1 to i32
    %cond3A_89 = arith.constant 0 : i32
    %cond3A_90 = arith.cmpi ne, %convert_element_type3A_88, %cond3A_89 : i32
    scf.if %cond3A_90 {
      %mul3A_290 = arith.constant 40 : i32
      %mul3A_291 = arith.muli %add3A_85, %mul3A_290 : i32
      "tpu.region"() ({
        %run_scoped3A = tpu.sem_alloc : memref<!tpu.dma_semaphore, #tpu.memory_space<semaphore_mem>>
        %dma_start3A_292 = arith.constant 0 : i32
        %dma_start3A_293 = tpu.memref_slice %arg20[%mul3A_291, %dma_start3A_292] : memref<10000x128xf32, #tpu.memory_space<vmem_shared>> -> memref<40x128xf32, #tpu.memory_space<vmem_shared>>
        %dma_start3A_294 = arith.constant 0 : i32
        %dma_start3A_295 = tpu.memref_slice %arg20[%mul3A_291, %dma_start3A_294] : memref<10000x128xf32, #tpu.memory_space<vmem_shared>> -> memref<40x128xf32, #tpu.memory_space<vmem_shared>>
        tpu.enqueue_dma source(%arg13 : memref<40x128xf32, #tpu.memory_space<vmem>>) target(%dma_start3A_295 : memref<40x128xf32, #tpu.memory_space<vmem_shared>>) target_semaphore(%run_scoped3A : memref<!tpu.dma_semaphore, #tpu.memory_space<semaphore_mem>>)
        %dma_wait3A_296 = arith.constant 0 : i32
        %dma_wait3A_297 = tpu.memref_slice %arg20[%mul3A_291, %dma_wait3A_296] : memref<10000x128xf32, #tpu.memory_space<vmem_shared>> -> memref<40x128xf32, #tpu.memory_space<vmem_shared>>
        %dma_wait3A_298 = arith.constant 0 : i32
        %dma_wait3A_299 = tpu.memref_slice %arg20[%mul3A_291, %dma_wait3A_298] : memref<10000x128xf32, #tpu.memory_space<vmem_shared>> -> memref<40x128xf32, #tpu.memory_space<vmem_shared>>
        tpu.wait_dma2 semaphore(%run_scoped3A : memref<!tpu.dma_semaphore, #tpu.memory_space<semaphore_mem>>) src(%arg13 : memref<40x128xf32, #tpu.memory_space<vmem>>) dst(%dma_wait3A_299 : memref<40x128xf32, #tpu.memory_space<vmem_shared>>)
        tpu.yield
      }) : () -> ()
    } else {
    }
    %add3A_91 = arith.constant 208 : i32
    %add3A_92 = arith.addi %arg1, %add3A_91 : i32
    %lt3A_93 = arith.constant 250 : i32
    %lt3A_94 = arith.cmpi slt, %add3A_92, %lt3A_93 : i32
    %convert_element_type3A_95 = arith.extui %lt3A_94 : i1 to i32
    %cond3A_96 = arith.constant 0 : i32
    %cond3A_97 = arith.cmpi ne, %convert_element_type3A_95, %cond3A_96 : i32
    scf.if %cond3A_97 {
      %mul3A_290 = arith.constant 40 : i32
      %mul3A_291 = arith.muli %add3A_92, %mul3A_290 : i32
      "tpu.region"() ({
        %run_scoped3A = tpu.sem_alloc : memref<!tpu.dma_semaphore, #tpu.memory_space<semaphore_mem>>
        %dma_start3A_292 = arith.constant 0 : i32
        %dma_start3A_293 = tpu.memref_slice %arg20[%mul3A_291, %dma_start3A_292] : memref<10000x128xf32, #tpu.memory_space<vmem_shared>> -> memref<40x128xf32, #tpu.memory_space<vmem_shared>>
        %dma_start3A_294 = arith.constant 0 : i32
        %dma_start3A_295 = tpu.memref_slice %arg20[%mul3A_291, %dma_start3A_294] : memref<10000x128xf32, #tpu.memory_space<vmem_shared>> -> memref<40x128xf32, #tpu.memory_space<vmem_shared>>
        tpu.enqueue_dma source(%arg13 : memref<40x128xf32, #tpu.memory_space<vmem>>) target(%dma_start3A_295 : memref<40x128xf32, #tpu.memory_space<vmem_shared>>) target_semaphore(%run_scoped3A : memref<!tpu.dma_semaphore, #tpu.memory_space<semaphore_mem>>)
        %dma_wait3A_296 = arith.constant 0 : i32
        %dma_wait3A_297 = tpu.memref_slice %arg20[%mul3A_291, %dma_wait3A_296] : memref<10000x128xf32, #tpu.memory_space<vmem_shared>> -> memref<40x128xf32, #tpu.memory_space<vmem_shared>>
        %dma_wait3A_298 = arith.constant 0 : i32
        %dma_wait3A_299 = tpu.memref_slice %arg20[%mul3A_291, %dma_wait3A_298] : memref<10000x128xf32, #tpu.memory_space<vmem_shared>> -> memref<40x128xf32, #tpu.memory_space<vmem_shared>>
        tpu.wait_dma2 semaphore(%run_scoped3A : memref<!tpu.dma_semaphore, #tpu.memory_space<semaphore_mem>>) src(%arg13 : memref<40x128xf32, #tpu.memory_space<vmem>>) dst(%dma_wait3A_299 : memref<40x128xf32, #tpu.memory_space<vmem_shared>>)
        tpu.yield
      }) : () -> ()
    } else {
    }
    %add3A_98 = arith.constant 224 : i32
    %add3A_99 = arith.addi %arg1, %add3A_98 : i32
    %lt3A_100 = arith.constant 250 : i32
    %lt3A_101 = arith.cmpi slt, %add3A_99, %lt3A_100 : i32
    %convert_element_type3A_102 = arith.extui %lt3A_101 : i1 to i32
    %cond3A_103 = arith.constant 0 : i32
    %cond3A_104 = arith.cmpi ne, %convert_element_type3A_102, %cond3A_103 : i32
    scf.if %cond3A_104 {
      %mul3A_290 = arith.constant 40 : i32
      %mul3A_291 = arith.muli %add3A_99, %mul3A_290 : i32
      "tpu.region"() ({
        %run_scoped3A = tpu.sem_alloc : memref<!tpu.dma_semaphore, #tpu.memory_space<semaphore_mem>>
        %dma_start3A_292 = arith.constant 0 : i32
        %dma_start3A_293 = tpu.memref_slice %arg20[%mul3A_291, %dma_start3A_292] : memref<10000x128xf32, #tpu.memory_space<vmem_shared>> -> memref<40x128xf32, #tpu.memory_space<vmem_shared>>
        %dma_start3A_294 = arith.constant 0 : i32
        %dma_start3A_295 = tpu.memref_slice %arg20[%mul3A_291, %dma_start3A_294] : memref<10000x128xf32, #tpu.memory_space<vmem_shared>> -> memref<40x128xf32, #tpu.memory_space<vmem_shared>>
        tpu.enqueue_dma source(%arg13 : memref<40x128xf32, #tpu.memory_space<vmem>>) target(%dma_start3A_295 : memref<40x128xf32, #tpu.memory_space<vmem_shared>>) target_semaphore(%run_scoped3A : memref<!tpu.dma_semaphore, #tpu.memory_space<semaphore_mem>>)
        %dma_wait3A_296 = arith.constant 0 : i32
        %dma_wait3A_297 = tpu.memref_slice %arg20[%mul3A_291, %dma_wait3A_296] : memref<10000x128xf32, #tpu.memory_space<vmem_shared>> -> memref<40x128xf32, #tpu.memory_space<vmem_shared>>
        %dma_wait3A_298 = arith.constant 0 : i32
        %dma_wait3A_299 = tpu.memref_slice %arg20[%mul3A_291, %dma_wait3A_298] : memref<10000x128xf32, #tpu.memory_space<vmem_shared>> -> memref<40x128xf32, #tpu.memory_space<vmem_shared>>
        tpu.wait_dma2 semaphore(%run_scoped3A : memref<!tpu.dma_semaphore, #tpu.memory_space<semaphore_mem>>) src(%arg13 : memref<40x128xf32, #tpu.memory_space<vmem>>) dst(%dma_wait3A_299 : memref<40x128xf32, #tpu.memory_space<vmem_shared>>)
        tpu.yield
      }) : () -> ()
    } else {
    }
    %add3A_105 = arith.constant 240 : i32
    %add3A_106 = arith.addi %arg1, %add3A_105 : i32
    %lt3A_107 = arith.constant 250 : i32
    %lt3A_108 = arith.cmpi slt, %add3A_106, %lt3A_107 : i32
    %convert_element_type3A_109 = arith.extui %lt3A_108 : i1 to i32
    %cond3A_110 = arith.constant 0 : i32
    %cond3A_111 = arith.cmpi ne, %convert_element_type3A_109, %cond3A_110 : i32
    scf.if %cond3A_111 {
      %mul3A_290 = arith.constant 40 : i32
      %mul3A_291 = arith.muli %add3A_106, %mul3A_290 : i32
      "tpu.region"() ({
        %run_scoped3A = tpu.sem_alloc : memref<!tpu.dma_semaphore, #tpu.memory_space<semaphore_mem>>
        %dma_start3A_292 = arith.constant 0 : i32
        %dma_start3A_293 = tpu.memref_slice %arg20[%mul3A_291, %dma_start3A_292] : memref<10000x128xf32, #tpu.memory_space<vmem_shared>> -> memref<40x128xf32, #tpu.memory_space<vmem_shared>>
        %dma_start3A_294 = arith.constant 0 : i32
        %dma_start3A_295 = tpu.memref_slice %arg20[%mul3A_291, %dma_start3A_294] : memref<10000x128xf32, #tpu.memory_space<vmem_shared>> -> memref<40x128xf32, #tpu.memory_space<vmem_shared>>
        tpu.enqueue_dma source(%arg13 : memref<40x128xf32, #tpu.memory_space<vmem>>) target(%dma_start3A_295 : memref<40x128xf32, #tpu.memory_space<vmem_shared>>) target_semaphore(%run_scoped3A : memref<!tpu.dma_semaphore, #tpu.memory_space<semaphore_mem>>)
        %dma_wait3A_296 = arith.constant 0 : i32
        %dma_wait3A_297 = tpu.memref_slice %arg20[%mul3A_291, %dma_wait3A_296] : memref<10000x128xf32, #tpu.memory_space<vmem_shared>> -> memref<40x128xf32, #tpu.memory_space<vmem_shared>>
        %dma_wait3A_298 = arith.constant 0 : i32
        %dma_wait3A_299 = tpu.memref_slice %arg20[%mul3A_291, %dma_wait3A_298] : memref<10000x128xf32, #tpu.memory_space<vmem_shared>> -> memref<40x128xf32, #tpu.memory_space<vmem_shared>>
        tpu.wait_dma2 semaphore(%run_scoped3A : memref<!tpu.dma_semaphore, #tpu.memory_space<semaphore_mem>>) src(%arg13 : memref<40x128xf32, #tpu.memory_space<vmem>>) dst(%dma_wait3A_299 : memref<40x128xf32, #tpu.memory_space<vmem_shared>>)
        tpu.yield
      }) : () -> ()
    } else {
    }
    %barrier3A = arith.constant 0 : index
    tpu.barrier barrier_id(%barrier3A)
    %mul3A_112 = arith.constant 10000 : i32
    %mul3A_113 = arith.muli %add3A, %mul3A_112 : i32
    %add3A_114 = arith.constant 0 : i32
    %add3A_115 = arith.addi %mul3A_113, %add3A_114 : i32
    %dma_start3A = tpu.memref_slice %arg3[%add3A_115] : memref<320000xi32, #tpu.memory_space<hbm>> -> memref<40xi32, #tpu.memory_space<hbm>>
    %dma_start3A_116 = tpu.memref_slice %arg3[%add3A_115] : memref<320000xi32, #tpu.memory_space<hbm>> -> memref<40xi32, #tpu.memory_space<hbm>>
    tpu.enqueue_dma source(%dma_start3A_116 : memref<40xi32, #tpu.memory_space<hbm>>) target(%arg8 : memref<40xi32, #tpu.memory_space<vmem>>) target_semaphore(%arg21 : memref<!tpu.dma_semaphore, #tpu.memory_space<semaphore_mem>>)
    %mul3A_117 = arith.constant 10000 : i32
    %mul3A_118 = arith.muli %add3A, %mul3A_117 : i32
    %add3A_119 = arith.constant 40 : i32
    %add3A_120 = arith.addi %mul3A_118, %add3A_119 : i32
    %dma_start3A_121 = tpu.memref_slice %arg3[%add3A_120] : memref<320000xi32, #tpu.memory_space<hbm>> -> memref<40xi32, #tpu.memory_space<hbm>>
    %dma_start3A_122 = tpu.memref_slice %arg3[%add3A_120] : memref<320000xi32, #tpu.memory_space<hbm>> -> memref<40xi32, #tpu.memory_space<hbm>>
    tpu.enqueue_dma source(%dma_start3A_122 : memref<40xi32, #tpu.memory_space<hbm>>) target(%arg9 : memref<40xi32, #tpu.memory_space<vmem>>) target_semaphore(%arg21 : memref<!tpu.dma_semaphore, #tpu.memory_space<semaphore_mem>>)
    %mul3A_123 = arith.constant 10000 : i32
    %mul3A_124 = arith.muli %add3A, %mul3A_123 : i32
    %add3A_125 = arith.constant 80 : i32
    %add3A_126 = arith.addi %mul3A_124, %add3A_125 : i32
    %dma_start3A_127 = tpu.memref_slice %arg3[%add3A_126] : memref<320000xi32, #tpu.memory_space<hbm>> -> memref<40xi32, #tpu.memory_space<hbm>>
    %dma_start3A_128 = tpu.memref_slice %arg3[%add3A_126] : memref<320000xi32, #tpu.memory_space<hbm>> -> memref<40xi32, #tpu.memory_space<hbm>>
    tpu.enqueue_dma source(%dma_start3A_128 : memref<40xi32, #tpu.memory_space<hbm>>) target(%arg10 : memref<40xi32, #tpu.memory_space<vmem>>) target_semaphore(%arg21 : memref<!tpu.dma_semaphore, #tpu.memory_space<semaphore_mem>>)
    %mul3A_129 = arith.constant 10000 : i32
    %mul3A_130 = arith.muli %add3A, %mul3A_129 : i32
    %add3A_131 = arith.constant 120 : i32
    %add3A_132 = arith.addi %mul3A_130, %add3A_131 : i32
    %dma_start3A_133 = tpu.memref_slice %arg3[%add3A_132] : memref<320000xi32, #tpu.memory_space<hbm>> -> memref<40xi32, #tpu.memory_space<hbm>>
    %dma_start3A_134 = tpu.memref_slice %arg3[%add3A_132] : memref<320000xi32, #tpu.memory_space<hbm>> -> memref<40xi32, #tpu.memory_space<hbm>>
    tpu.enqueue_dma source(%dma_start3A_134 : memref<40xi32, #tpu.memory_space<hbm>>) target(%arg11 : memref<40xi32, #tpu.memory_space<vmem>>) target_semaphore(%arg21 : memref<!tpu.dma_semaphore, #tpu.memory_space<semaphore_mem>>)
    %mul3A_135 = arith.constant 10000 : i32
    %mul3A_136 = arith.muli %add3A, %mul3A_135 : i32
    %add3A_137 = arith.constant 160 : i32
    %add3A_138 = arith.addi %mul3A_136, %add3A_137 : i32
    %dma_start3A_139 = tpu.memref_slice %arg3[%add3A_138] : memref<320000xi32, #tpu.memory_space<hbm>> -> memref<40xi32, #tpu.memory_space<hbm>>
    %dma_start3A_140 = tpu.memref_slice %arg3[%add3A_138] : memref<320000xi32, #tpu.memory_space<hbm>> -> memref<40xi32, #tpu.memory_space<hbm>>
    tpu.enqueue_dma source(%dma_start3A_140 : memref<40xi32, #tpu.memory_space<hbm>>) target(%arg12 : memref<40xi32, #tpu.memory_space<vmem>>) target_semaphore(%arg21 : memref<!tpu.dma_semaphore, #tpu.memory_space<semaphore_mem>>)
    %scan3A = arith.constant 0 : i32
    %scan3A_141 = arith.constant 0 : i32
    %scan3A_142 = arith.constant 50 : i32
    %scan3A_143 = arith.addi %scan3A_141, %scan3A_142 : i32
    %scan3A_144 = arith.constant 1 : i32
    scf.for %scan3A_290 = %scan3A_141 to %scan3A_143 step %scan3A_144  : i32 {
      %mul3A_291 = arith.constant 10000 : i32
      %mul3A_292 = arith.muli %add3A, %mul3A_291 : i32
      %mul3A_293 = arith.constant 200 : i32
      %mul3A_294 = arith.muli %scan3A_290, %mul3A_293 : i32
      %add3A_295 = arith.addi %mul3A_292, %mul3A_294 : i32
      %gt3A = arith.constant 0 : i32
      %gt3A_296 = arith.cmpi sgt, %scan3A_290, %gt3A : i32
      %convert_element_type3A_297 = arith.extui %gt3A_296 : i1 to i32
      %cond3A_298 = arith.constant 0 : i32
      %cond3A_299 = arith.cmpi ne, %convert_element_type3A_297, %cond3A_298 : i32
      scf.if %cond3A_299 {
        %dma_wait3A_445 = arith.constant 0 : i32
        %dma_wait3A_446 = tpu.memref_slice %arg18[%dma_wait3A_445] : memref<10000xi32, #tpu.memory_space<vmem>> -> memref<40xi32, #tpu.memory_space<vmem>>
        %dma_wait3A_447 = arith.constant 0 : i32
        %dma_wait3A_448 = arith.constant 0 : i32
        %dma_wait3A_449 = tpu.memref_slice %arg20[%dma_wait3A_447, %dma_wait3A_448] : memref<10000x128xf32, #tpu.memory_space<vmem_shared>> -> memref<10000x128xf32, #tpu.memory_space<vmem_shared>>
        tpu.wait_indirect_dma semaphore(%arg23 : memref<!tpu.dma_semaphore, #tpu.memory_space<semaphore_mem>>) src(%arg13 : memref<40x128xf32, #tpu.memory_space<vmem>>) dst(%dma_wait3A_449 : memref<10000x128xf32, #tpu.memory_space<vmem_shared>>)
      } else {
      }
      %add3A_300 = arith.constant 0 : i32
      %add3A_301 = arith.addi %add3A_295, %add3A_300 : i32
      %dma_wait3A_302 = tpu.memref_slice %arg3[%add3A_301] : memref<320000xi32, #tpu.memory_space<hbm>> -> memref<40xi32, #tpu.memory_space<hbm>>
      %dma_wait3A_303 = tpu.memref_slice %arg3[%add3A_301] : memref<320000xi32, #tpu.memory_space<hbm>> -> memref<40xi32, #tpu.memory_space<hbm>>
      tpu.wait_dma2 semaphore(%arg21 : memref<!tpu.dma_semaphore, #tpu.memory_space<semaphore_mem>>) src(%dma_wait3A_303 : memref<40xi32, #tpu.memory_space<hbm>>) dst(%arg8 : memref<40xi32, #tpu.memory_space<vmem>>)
      %dma_start3A_304 = arith.constant 0 : i32
      %dma_start3A_305 = arith.constant 0 : i32
      %dma_start3A_306 = tpu.memref_slice %arg2[%dma_start3A_304, %dma_start3A_305] : memref<10000x128xf32, #tpu.memory_space<hbm>> -> memref<10000x128xf32, #tpu.memory_space<hbm>>
      tpu.enqueue_indirect_dma source(%dma_start3A_306 : memref<10000x128xf32, #tpu.memory_space<hbm>>) target(%arg13 : memref<40x128xf32, #tpu.memory_space<vmem>>) offsets(%arg8 : memref<40xi32, #tpu.memory_space<vmem>>) semaphore(%arg22 : memref<!tpu.dma_semaphore, #tpu.memory_space<semaphore_mem>>)
      %gt3A_307 = arith.constant 0 : i32
      %gt3A_308 = arith.cmpi sgt, %scan3A_290, %gt3A_307 : i32
      %convert_element_type3A_309 = arith.extui %gt3A_308 : i1 to i32
      %cond3A_310 = arith.constant 0 : i32
      %cond3A_311 = arith.cmpi ne, %convert_element_type3A_309, %cond3A_310 : i32
      scf.if %cond3A_311 {
        %dma_wait3A_445 = arith.constant 0 : i32
        %dma_wait3A_446 = tpu.memref_slice %arg18[%dma_wait3A_445] : memref<10000xi32, #tpu.memory_space<vmem>> -> memref<40xi32, #tpu.memory_space<vmem>>
        %dma_wait3A_447 = arith.constant 0 : i32
        %dma_wait3A_448 = arith.constant 0 : i32
        %dma_wait3A_449 = tpu.memref_slice %arg20[%dma_wait3A_447, %dma_wait3A_448] : memref<10000x128xf32, #tpu.memory_space<vmem_shared>> -> memref<10000x128xf32, #tpu.memory_space<vmem_shared>>
        tpu.wait_indirect_dma semaphore(%arg23 : memref<!tpu.dma_semaphore, #tpu.memory_space<semaphore_mem>>) src(%arg14 : memref<40x128xf32, #tpu.memory_space<vmem>>) dst(%dma_wait3A_449 : memref<10000x128xf32, #tpu.memory_space<vmem_shared>>)
      } else {
      }
      %add3A_312 = arith.constant 40 : i32
      %add3A_313 = arith.addi %add3A_295, %add3A_312 : i32
      %dma_wait3A_314 = tpu.memref_slice %arg3[%add3A_313] : memref<320000xi32, #tpu.memory_space<hbm>> -> memref<40xi32, #tpu.memory_space<hbm>>
      %dma_wait3A_315 = tpu.memref_slice %arg3[%add3A_313] : memref<320000xi32, #tpu.memory_space<hbm>> -> memref<40xi32, #tpu.memory_space<hbm>>
      tpu.wait_dma2 semaphore(%arg21 : memref<!tpu.dma_semaphore, #tpu.memory_space<semaphore_mem>>) src(%dma_wait3A_315 : memref<40xi32, #tpu.memory_space<hbm>>) dst(%arg9 : memref<40xi32, #tpu.memory_space<vmem>>)
      %dma_start3A_316 = arith.constant 0 : i32
      %dma_start3A_317 = arith.constant 0 : i32
      %dma_start3A_318 = tpu.memref_slice %arg2[%dma_start3A_316, %dma_start3A_317] : memref<10000x128xf32, #tpu.memory_space<hbm>> -> memref<10000x128xf32, #tpu.memory_space<hbm>>
      tpu.enqueue_indirect_dma source(%dma_start3A_318 : memref<10000x128xf32, #tpu.memory_space<hbm>>) target(%arg14 : memref<40x128xf32, #tpu.memory_space<vmem>>) offsets(%arg9 : memref<40xi32, #tpu.memory_space<vmem>>) semaphore(%arg22 : memref<!tpu.dma_semaphore, #tpu.memory_space<semaphore_mem>>)
      %gt3A_319 = arith.constant 0 : i32
      %gt3A_320 = arith.cmpi sgt, %scan3A_290, %gt3A_319 : i32
      %convert_element_type3A_321 = arith.extui %gt3A_320 : i1 to i32
      %cond3A_322 = arith.constant 0 : i32
      %cond3A_323 = arith.cmpi ne, %convert_element_type3A_321, %cond3A_322 : i32
      scf.if %cond3A_323 {
        %dma_wait3A_445 = arith.constant 0 : i32
        %dma_wait3A_446 = tpu.memref_slice %arg18[%dma_wait3A_445] : memref<10000xi32, #tpu.memory_space<vmem>> -> memref<40xi32, #tpu.memory_space<vmem>>
        %dma_wait3A_447 = arith.constant 0 : i32
        %dma_wait3A_448 = arith.constant 0 : i32
        %dma_wait3A_449 = tpu.memref_slice %arg20[%dma_wait3A_447, %dma_wait3A_448] : memref<10000x128xf32, #tpu.memory_space<vmem_shared>> -> memref<10000x128xf32, #tpu.memory_space<vmem_shared>>
        tpu.wait_indirect_dma semaphore(%arg23 : memref<!tpu.dma_semaphore, #tpu.memory_space<semaphore_mem>>) src(%arg15 : memref<40x128xf32, #tpu.memory_space<vmem>>) dst(%dma_wait3A_449 : memref<10000x128xf32, #tpu.memory_space<vmem_shared>>)
      } else {
      }
      %add3A_324 = arith.constant 80 : i32
      %add3A_325 = arith.addi %add3A_295, %add3A_324 : i32
      %dma_wait3A_326 = tpu.memref_slice %arg3[%add3A_325] : memref<320000xi32, #tpu.memory_space<hbm>> -> memref<40xi32, #tpu.memory_space<hbm>>
      %dma_wait3A_327 = tpu.memref_slice %arg3[%add3A_325] : memref<320000xi32, #tpu.memory_space<hbm>> -> memref<40xi32, #tpu.memory_space<hbm>>
      tpu.wait_dma2 semaphore(%arg21 : memref<!tpu.dma_semaphore, #tpu.memory_space<semaphore_mem>>) src(%dma_wait3A_327 : memref<40xi32, #tpu.memory_space<hbm>>) dst(%arg10 : memref<40xi32, #tpu.memory_space<vmem>>)
      %dma_start3A_328 = arith.constant 0 : i32
      %dma_start3A_329 = arith.constant 0 : i32
      %dma_start3A_330 = tpu.memref_slice %arg2[%dma_start3A_328, %dma_start3A_329] : memref<10000x128xf32, #tpu.memory_space<hbm>> -> memref<10000x128xf32, #tpu.memory_space<hbm>>
      tpu.enqueue_indirect_dma source(%dma_start3A_330 : memref<10000x128xf32, #tpu.memory_space<hbm>>) target(%arg15 : memref<40x128xf32, #tpu.memory_space<vmem>>) offsets(%arg10 : memref<40xi32, #tpu.memory_space<vmem>>) semaphore(%arg22 : memref<!tpu.dma_semaphore, #tpu.memory_space<semaphore_mem>>)
      %gt3A_331 = arith.constant 0 : i32
      %gt3A_332 = arith.cmpi sgt, %scan3A_290, %gt3A_331 : i32
      %convert_element_type3A_333 = arith.extui %gt3A_332 : i1 to i32
      %cond3A_334 = arith.constant 0 : i32
      %cond3A_335 = arith.cmpi ne, %convert_element_type3A_333, %cond3A_334 : i32
      scf.if %cond3A_335 {
        %dma_wait3A_445 = arith.constant 0 : i32
        %dma_wait3A_446 = tpu.memref_slice %arg18[%dma_wait3A_445] : memref<10000xi32, #tpu.memory_space<vmem>> -> memref<40xi32, #tpu.memory_space<vmem>>
        %dma_wait3A_447 = arith.constant 0 : i32
        %dma_wait3A_448 = arith.constant 0 : i32
        %dma_wait3A_449 = tpu.memref_slice %arg20[%dma_wait3A_447, %dma_wait3A_448] : memref<10000x128xf32, #tpu.memory_space<vmem_shared>> -> memref<10000x128xf32, #tpu.memory_space<vmem_shared>>
        tpu.wait_indirect_dma semaphore(%arg23 : memref<!tpu.dma_semaphore, #tpu.memory_space<semaphore_mem>>) src(%arg16 : memref<40x128xf32, #tpu.memory_space<vmem>>) dst(%dma_wait3A_449 : memref<10000x128xf32, #tpu.memory_space<vmem_shared>>)
      } else {
      }
      %add3A_336 = arith.constant 120 : i32
      %add3A_337 = arith.addi %add3A_295, %add3A_336 : i32
      %dma_wait3A_338 = tpu.memref_slice %arg3[%add3A_337] : memref<320000xi32, #tpu.memory_space<hbm>> -> memref<40xi32, #tpu.memory_space<hbm>>
      %dma_wait3A_339 = tpu.memref_slice %arg3[%add3A_337] : memref<320000xi32, #tpu.memory_space<hbm>> -> memref<40xi32, #tpu.memory_space<hbm>>
      tpu.wait_dma2 semaphore(%arg21 : memref<!tpu.dma_semaphore, #tpu.memory_space<semaphore_mem>>) src(%dma_wait3A_339 : memref<40xi32, #tpu.memory_space<hbm>>) dst(%arg11 : memref<40xi32, #tpu.memory_space<vmem>>)
      %dma_start3A_340 = arith.constant 0 : i32
      %dma_start3A_341 = arith.constant 0 : i32
      %dma_start3A_342 = tpu.memref_slice %arg2[%dma_start3A_340, %dma_start3A_341] : memref<10000x128xf32, #tpu.memory_space<hbm>> -> memref<10000x128xf32, #tpu.memory_space<hbm>>
      tpu.enqueue_indirect_dma source(%dma_start3A_342 : memref<10000x128xf32, #tpu.memory_space<hbm>>) target(%arg16 : memref<40x128xf32, #tpu.memory_space<vmem>>) offsets(%arg11 : memref<40xi32, #tpu.memory_space<vmem>>) semaphore(%arg22 : memref<!tpu.dma_semaphore, #tpu.memory_space<semaphore_mem>>)
      %gt3A_343 = arith.constant 0 : i32
      %gt3A_344 = arith.cmpi sgt, %scan3A_290, %gt3A_343 : i32
      %convert_element_type3A_345 = arith.extui %gt3A_344 : i1 to i32
      %cond3A_346 = arith.constant 0 : i32
      %cond3A_347 = arith.cmpi ne, %convert_element_type3A_345, %cond3A_346 : i32
      scf.if %cond3A_347 {
        %dma_wait3A_445 = arith.constant 0 : i32
        %dma_wait3A_446 = tpu.memref_slice %arg18[%dma_wait3A_445] : memref<10000xi32, #tpu.memory_space<vmem>> -> memref<40xi32, #tpu.memory_space<vmem>>
        %dma_wait3A_447 = arith.constant 0 : i32
        %dma_wait3A_448 = arith.constant 0 : i32
        %dma_wait3A_449 = tpu.memref_slice %arg20[%dma_wait3A_447, %dma_wait3A_448] : memref<10000x128xf32, #tpu.memory_space<vmem_shared>> -> memref<10000x128xf32, #tpu.memory_space<vmem_shared>>
        tpu.wait_indirect_dma semaphore(%arg23 : memref<!tpu.dma_semaphore, #tpu.memory_space<semaphore_mem>>) src(%arg17 : memref<40x128xf32, #tpu.memory_space<vmem>>) dst(%dma_wait3A_449 : memref<10000x128xf32, #tpu.memory_space<vmem_shared>>)
      } else {
      }
      %add3A_348 = arith.constant 160 : i32
      %add3A_349 = arith.addi %add3A_295, %add3A_348 : i32
      %dma_wait3A_350 = tpu.memref_slice %arg3[%add3A_349] : memref<320000xi32, #tpu.memory_space<hbm>> -> memref<40xi32, #tpu.memory_space<hbm>>
      %dma_wait3A_351 = tpu.memref_slice %arg3[%add3A_349] : memref<320000xi32, #tpu.memory_space<hbm>> -> memref<40xi32, #tpu.memory_space<hbm>>
      tpu.wait_dma2 semaphore(%arg21 : memref<!tpu.dma_semaphore, #tpu.memory_space<semaphore_mem>>) src(%dma_wait3A_351 : memref<40xi32, #tpu.memory_space<hbm>>) dst(%arg12 : memref<40xi32, #tpu.memory_space<vmem>>)
      %dma_start3A_352 = arith.constant 0 : i32
      %dma_start3A_353 = arith.constant 0 : i32
      %dma_start3A_354 = tpu.memref_slice %arg2[%dma_start3A_352, %dma_start3A_353] : memref<10000x128xf32, #tpu.memory_space<hbm>> -> memref<10000x128xf32, #tpu.memory_space<hbm>>
      tpu.enqueue_indirect_dma source(%dma_start3A_354 : memref<10000x128xf32, #tpu.memory_space<hbm>>) target(%arg17 : memref<40x128xf32, #tpu.memory_space<vmem>>) offsets(%arg12 : memref<40xi32, #tpu.memory_space<vmem>>) semaphore(%arg22 : memref<!tpu.dma_semaphore, #tpu.memory_space<semaphore_mem>>)
      %dma_wait3A_355 = arith.constant 0 : i32
      %dma_wait3A_356 = arith.constant 0 : i32
      %dma_wait3A_357 = tpu.memref_slice %arg2[%dma_wait3A_355, %dma_wait3A_356] : memref<10000x128xf32, #tpu.memory_space<hbm>> -> memref<10000x128xf32, #tpu.memory_space<hbm>>
      tpu.wait_indirect_dma semaphore(%arg22 : memref<!tpu.dma_semaphore, #tpu.memory_space<semaphore_mem>>) src(%dma_wait3A_357 : memref<10000x128xf32, #tpu.memory_space<hbm>>) dst(%arg13 : memref<40x128xf32, #tpu.memory_space<vmem>>)
      %mul3A_358 = arith.constant 5 : i32
      %mul3A_359 = arith.muli %scan3A_290, %mul3A_358 : i32
      %add3A_360 = arith.constant 0 : i32
      %add3A_361 = arith.addi %mul3A_359, %add3A_360 : i32
      %mul3A_362 = arith.constant 40 : i32
      %mul3A_363 = arith.muli %add3A_361, %mul3A_362 : i32
      %dma_start3A_364 = tpu.memref_slice %arg18[%mul3A_363] : memref<10000xi32, #tpu.memory_space<vmem>> -> memref<40xi32, #tpu.memory_space<vmem>>
      %dma_start3A_365 = arith.constant 0 : i32
      %dma_start3A_366 = arith.constant 0 : i32
      %dma_start3A_367 = tpu.memref_slice %arg20[%dma_start3A_365, %dma_start3A_366] : memref<10000x128xf32, #tpu.memory_space<vmem_shared>> -> memref<10000x128xf32, #tpu.memory_space<vmem_shared>>
      tpu.enqueue_indirect_dma source(%arg13 : memref<40x128xf32, #tpu.memory_space<vmem>>) target(%dma_start3A_367 : memref<10000x128xf32, #tpu.memory_space<vmem_shared>>) offsets(%dma_start3A_364 : memref<40xi32, #tpu.memory_space<vmem>>) semaphore(%arg23 : memref<!tpu.dma_semaphore, #tpu.memory_space<semaphore_mem>>) {add = true}
      %lt3A_368 = arith.constant 49 : i32
      %lt3A_369 = arith.cmpi slt, %scan3A_290, %lt3A_368 : i32
      %convert_element_type3A_370 = arith.extui %lt3A_369 : i1 to i32
      %cond3A_371 = arith.constant 0 : i32
      %cond3A_372 = arith.cmpi ne, %convert_element_type3A_370, %cond3A_371 : i32
      scf.if %cond3A_372 {
        %add3A_445 = arith.constant 200 : i32
        %add3A_446 = arith.addi %add3A_295, %add3A_445 : i32
        %dma_start3A_447 = tpu.memref_slice %arg3[%add3A_446] : memref<320000xi32, #tpu.memory_space<hbm>> -> memref<40xi32, #tpu.memory_space<hbm>>
        %dma_start3A_448 = tpu.memref_slice %arg3[%add3A_446] : memref<320000xi32, #tpu.memory_space<hbm>> -> memref<40xi32, #tpu.memory_space<hbm>>
        tpu.enqueue_dma source(%dma_start3A_448 : memref<40xi32, #tpu.memory_space<hbm>>) target(%arg8 : memref<40xi32, #tpu.memory_space<vmem>>) target_semaphore(%arg21 : memref<!tpu.dma_semaphore, #tpu.memory_space<semaphore_mem>>)
      } else {
      }
      %dma_wait3A_373 = arith.constant 0 : i32
      %dma_wait3A_374 = arith.constant 0 : i32
      %dma_wait3A_375 = tpu.memref_slice %arg2[%dma_wait3A_373, %dma_wait3A_374] : memref<10000x128xf32, #tpu.memory_space<hbm>> -> memref<10000x128xf32, #tpu.memory_space<hbm>>
      tpu.wait_indirect_dma semaphore(%arg22 : memref<!tpu.dma_semaphore, #tpu.memory_space<semaphore_mem>>) src(%dma_wait3A_375 : memref<10000x128xf32, #tpu.memory_space<hbm>>) dst(%arg14 : memref<40x128xf32, #tpu.memory_space<vmem>>)
      %mul3A_376 = arith.constant 5 : i32
      %mul3A_377 = arith.muli %scan3A_290, %mul3A_376 : i32
      %add3A_378 = arith.constant 1 : i32
      %add3A_379 = arith.addi %mul3A_377, %add3A_378 : i32
      %mul3A_380 = arith.constant 40 : i32
      %mul3A_381 = arith.muli %add3A_379, %mul3A_380 : i32
      %dma_start3A_382 = tpu.memref_slice %arg18[%mul3A_381] : memref<10000xi32, #tpu.memory_space<vmem>> -> memref<40xi32, #tpu.memory_space<vmem>>
      %dma_start3A_383 = arith.constant 0 : i32
      %dma_start3A_384 = arith.constant 0 : i32
      %dma_start3A_385 = tpu.memref_slice %arg20[%dma_start3A_383, %dma_start3A_384] : memref<10000x128xf32, #tpu.memory_space<vmem_shared>> -> memref<10000x128xf32, #tpu.memory_space<vmem_shared>>
      tpu.enqueue_indirect_dma source(%arg14 : memref<40x128xf32, #tpu.memory_space<vmem>>) target(%dma_start3A_385 : memref<10000x128xf32, #tpu.memory_space<vmem_shared>>) offsets(%dma_start3A_382 : memref<40xi32, #tpu.memory_space<vmem>>) semaphore(%arg23 : memref<!tpu.dma_semaphore, #tpu.memory_space<semaphore_mem>>) {add = true}
      %lt3A_386 = arith.constant 49 : i32
      %lt3A_387 = arith.cmpi slt, %scan3A_290, %lt3A_386 : i32
      %convert_element_type3A_388 = arith.extui %lt3A_387 : i1 to i32
      %cond3A_389 = arith.constant 0 : i32
      %cond3A_390 = arith.cmpi ne, %convert_element_type3A_388, %cond3A_389 : i32
      scf.if %cond3A_390 {
        %add3A_445 = arith.constant 240 : i32
        %add3A_446 = arith.addi %add3A_295, %add3A_445 : i32
        %dma_start3A_447 = tpu.memref_slice %arg3[%add3A_446] : memref<320000xi32, #tpu.memory_space<hbm>> -> memref<40xi32, #tpu.memory_space<hbm>>
        %dma_start3A_448 = tpu.memref_slice %arg3[%add3A_446] : memref<320000xi32, #tpu.memory_space<hbm>> -> memref<40xi32, #tpu.memory_space<hbm>>
        tpu.enqueue_dma source(%dma_start3A_448 : memref<40xi32, #tpu.memory_space<hbm>>) target(%arg9 : memref<40xi32, #tpu.memory_space<vmem>>) target_semaphore(%arg21 : memref<!tpu.dma_semaphore, #tpu.memory_space<semaphore_mem>>)
      } else {
      }
      %dma_wait3A_391 = arith.constant 0 : i32
      %dma_wait3A_392 = arith.constant 0 : i32
      %dma_wait3A_393 = tpu.memref_slice %arg2[%dma_wait3A_391, %dma_wait3A_392] : memref<10000x128xf32, #tpu.memory_space<hbm>> -> memref<10000x128xf32, #tpu.memory_space<hbm>>
      tpu.wait_indirect_dma semaphore(%arg22 : memref<!tpu.dma_semaphore, #tpu.memory_space<semaphore_mem>>) src(%dma_wait3A_393 : memref<10000x128xf32, #tpu.memory_space<hbm>>) dst(%arg15 : memref<40x128xf32, #tpu.memory_space<vmem>>)
      %mul3A_394 = arith.constant 5 : i32
      %mul3A_395 = arith.muli %scan3A_290, %mul3A_394 : i32
      %add3A_396 = arith.constant 2 : i32
      %add3A_397 = arith.addi %mul3A_395, %add3A_396 : i32
      %mul3A_398 = arith.constant 40 : i32
      %mul3A_399 = arith.muli %add3A_397, %mul3A_398 : i32
      %dma_start3A_400 = tpu.memref_slice %arg18[%mul3A_399] : memref<10000xi32, #tpu.memory_space<vmem>> -> memref<40xi32, #tpu.memory_space<vmem>>
      %dma_start3A_401 = arith.constant 0 : i32
      %dma_start3A_402 = arith.constant 0 : i32
      %dma_start3A_403 = tpu.memref_slice %arg20[%dma_start3A_401, %dma_start3A_402] : memref<10000x128xf32, #tpu.memory_space<vmem_shared>> -> memref<10000x128xf32, #tpu.memory_space<vmem_shared>>
      tpu.enqueue_indirect_dma source(%arg15 : memref<40x128xf32, #tpu.memory_space<vmem>>) target(%dma_start3A_403 : memref<10000x128xf32, #tpu.memory_space<vmem_shared>>) offsets(%dma_start3A_400 : memref<40xi32, #tpu.memory_space<vmem>>) semaphore(%arg23 : memref<!tpu.dma_semaphore, #tpu.memory_space<semaphore_mem>>) {add = true}
      %lt3A_404 = arith.constant 49 : i32
      %lt3A_405 = arith.cmpi slt, %scan3A_290, %lt3A_404 : i32
      %convert_element_type3A_406 = arith.extui %lt3A_405 : i1 to i32
      %cond3A_407 = arith.constant 0 : i32
      %cond3A_408 = arith.cmpi ne, %convert_element_type3A_406, %cond3A_407 : i32
      scf.if %cond3A_408 {
        %add3A_445 = arith.constant 280 : i32
        %add3A_446 = arith.addi %add3A_295, %add3A_445 : i32
        %dma_start3A_447 = tpu.memref_slice %arg3[%add3A_446] : memref<320000xi32, #tpu.memory_space<hbm>> -> memref<40xi32, #tpu.memory_space<hbm>>
        %dma_start3A_448 = tpu.memref_slice %arg3[%add3A_446] : memref<320000xi32, #tpu.memory_space<hbm>> -> memref<40xi32, #tpu.memory_space<hbm>>
        tpu.enqueue_dma source(%dma_start3A_448 : memref<40xi32, #tpu.memory_space<hbm>>) target(%arg10 : memref<40xi32, #tpu.memory_space<vmem>>) target_semaphore(%arg21 : memref<!tpu.dma_semaphore, #tpu.memory_space<semaphore_mem>>)
      } else {
      }
      %dma_wait3A_409 = arith.constant 0 : i32
      %dma_wait3A_410 = arith.constant 0 : i32
      %dma_wait3A_411 = tpu.memref_slice %arg2[%dma_wait3A_409, %dma_wait3A_410] : memref<10000x128xf32, #tpu.memory_space<hbm>> -> memref<10000x128xf32, #tpu.memory_space<hbm>>
      tpu.wait_indirect_dma semaphore(%arg22 : memref<!tpu.dma_semaphore, #tpu.memory_space<semaphore_mem>>) src(%dma_wait3A_411 : memref<10000x128xf32, #tpu.memory_space<hbm>>) dst(%arg16 : memref<40x128xf32, #tpu.memory_space<vmem>>)
      %mul3A_412 = arith.constant 5 : i32
      %mul3A_413 = arith.muli %scan3A_290, %mul3A_412 : i32
      %add3A_414 = arith.constant 3 : i32
      %add3A_415 = arith.addi %mul3A_413, %add3A_414 : i32
      %mul3A_416 = arith.constant 40 : i32
      %mul3A_417 = arith.muli %add3A_415, %mul3A_416 : i32
      %dma_start3A_418 = tpu.memref_slice %arg18[%mul3A_417] : memref<10000xi32, #tpu.memory_space<vmem>> -> memref<40xi32, #tpu.memory_space<vmem>>
      %dma_start3A_419 = arith.constant 0 : i32
      %dma_start3A_420 = arith.constant 0 : i32
      %dma_start3A_421 = tpu.memref_slice %arg20[%dma_start3A_419, %dma_start3A_420] : memref<10000x128xf32, #tpu.memory_space<vmem_shared>> -> memref<10000x128xf32, #tpu.memory_space<vmem_shared>>
      tpu.enqueue_indirect_dma source(%arg16 : memref<40x128xf32, #tpu.memory_space<vmem>>) target(%dma_start3A_421 : memref<10000x128xf32, #tpu.memory_space<vmem_shared>>) offsets(%dma_start3A_418 : memref<40xi32, #tpu.memory_space<vmem>>) semaphore(%arg23 : memref<!tpu.dma_semaphore, #tpu.memory_space<semaphore_mem>>) {add = true}
      %lt3A_422 = arith.constant 49 : i32
      %lt3A_423 = arith.cmpi slt, %scan3A_290, %lt3A_422 : i32
      %convert_element_type3A_424 = arith.extui %lt3A_423 : i1 to i32
      %cond3A_425 = arith.constant 0 : i32
      %cond3A_426 = arith.cmpi ne, %convert_element_type3A_424, %cond3A_425 : i32
      scf.if %cond3A_426 {
        %add3A_445 = arith.constant 320 : i32
        %add3A_446 = arith.addi %add3A_295, %add3A_445 : i32
        %dma_start3A_447 = tpu.memref_slice %arg3[%add3A_446] : memref<320000xi32, #tpu.memory_space<hbm>> -> memref<40xi32, #tpu.memory_space<hbm>>
        %dma_start3A_448 = tpu.memref_slice %arg3[%add3A_446] : memref<320000xi32, #tpu.memory_space<hbm>> -> memref<40xi32, #tpu.memory_space<hbm>>
        tpu.enqueue_dma source(%dma_start3A_448 : memref<40xi32, #tpu.memory_space<hbm>>) target(%arg11 : memref<40xi32, #tpu.memory_space<vmem>>) target_semaphore(%arg21 : memref<!tpu.dma_semaphore, #tpu.memory_space<semaphore_mem>>)
      } else {
      }
      %dma_wait3A_427 = arith.constant 0 : i32
      %dma_wait3A_428 = arith.constant 0 : i32
      %dma_wait3A_429 = tpu.memref_slice %arg2[%dma_wait3A_427, %dma_wait3A_428] : memref<10000x128xf32, #tpu.memory_space<hbm>> -> memref<10000x128xf32, #tpu.memory_space<hbm>>
      tpu.wait_indirect_dma semaphore(%arg22 : memref<!tpu.dma_semaphore, #tpu.memory_space<semaphore_mem>>) src(%dma_wait3A_429 : memref<10000x128xf32, #tpu.memory_space<hbm>>) dst(%arg17 : memref<40x128xf32, #tpu.memory_space<vmem>>)
      %mul3A_430 = arith.constant 5 : i32
      %mul3A_431 = arith.muli %scan3A_290, %mul3A_430 : i32
      %add3A_432 = arith.constant 4 : i32
      %add3A_433 = arith.addi %mul3A_431, %add3A_432 : i32
      %mul3A_434 = arith.constant 40 : i32
      %mul3A_435 = arith.muli %add3A_433, %mul3A_434 : i32
      %dma_start3A_436 = tpu.memref_slice %arg18[%mul3A_435] : memref<10000xi32, #tpu.memory_space<vmem>> -> memref<40xi32, #tpu.memory_space<vmem>>
      %dma_start3A_437 = arith.constant 0 : i32
      %dma_start3A_438 = arith.constant 0 : i32
      %dma_start3A_439 = tpu.memref_slice %arg20[%dma_start3A_437, %dma_start3A_438] : memref<10000x128xf32, #tpu.memory_space<vmem_shared>> -> memref<10000x128xf32, #tpu.memory_space<vmem_shared>>
      tpu.enqueue_indirect_dma source(%arg17 : memref<40x128xf32, #tpu.memory_space<vmem>>) target(%dma_start3A_439 : memref<10000x128xf32, #tpu.memory_space<vmem_shared>>) offsets(%dma_start3A_436 : memref<40xi32, #tpu.memory_space<vmem>>) semaphore(%arg23 : memref<!tpu.dma_semaphore, #tpu.memory_space<semaphore_mem>>) {add = true}
      %lt3A_440 = arith.constant 49 : i32
      %lt3A_441 = arith.cmpi slt, %scan3A_290, %lt3A_440 : i32
      %convert_element_type3A_442 = arith.extui %lt3A_441 : i1 to i32
      %cond3A_443 = arith.constant 0 : i32
      %cond3A_444 = arith.cmpi ne, %convert_element_type3A_442, %cond3A_443 : i32
      scf.if %cond3A_444 {
        %add3A_445 = arith.constant 360 : i32
        %add3A_446 = arith.addi %add3A_295, %add3A_445 : i32
        %dma_start3A_447 = tpu.memref_slice %arg3[%add3A_446] : memref<320000xi32, #tpu.memory_space<hbm>> -> memref<40xi32, #tpu.memory_space<hbm>>
        %dma_start3A_448 = tpu.memref_slice %arg3[%add3A_446] : memref<320000xi32, #tpu.memory_space<hbm>> -> memref<40xi32, #tpu.memory_space<hbm>>
        tpu.enqueue_dma source(%dma_start3A_448 : memref<40xi32, #tpu.memory_space<hbm>>) target(%arg12 : memref<40xi32, #tpu.memory_space<vmem>>) target_semaphore(%arg21 : memref<!tpu.dma_semaphore, #tpu.memory_space<semaphore_mem>>)
      } else {
      }
    }
    %scan3A_145 = arith.constant 50 : i32
    %dma_wait3A = arith.constant 0 : i32
    %dma_wait3A_146 = tpu.memref_slice %arg18[%dma_wait3A] : memref<10000xi32, #tpu.memory_space<vmem>> -> memref<40xi32, #tpu.memory_space<vmem>>
    %dma_wait3A_147 = arith.constant 0 : i32
    %dma_wait3A_148 = arith.constant 0 : i32
    %dma_wait3A_149 = tpu.memref_slice %arg20[%dma_wait3A_147, %dma_wait3A_148] : memref<10000x128xf32, #tpu.memory_space<vmem_shared>> -> memref<10000x128xf32, #tpu.memory_space<vmem_shared>>
    tpu.wait_indirect_dma semaphore(%arg23 : memref<!tpu.dma_semaphore, #tpu.memory_space<semaphore_mem>>) src(%arg13 : memref<40x128xf32, #tpu.memory_space<vmem>>) dst(%dma_wait3A_149 : memref<10000x128xf32, #tpu.memory_space<vmem_shared>>)
    %dma_wait3A_150 = arith.constant 0 : i32
    %dma_wait3A_151 = tpu.memref_slice %arg18[%dma_wait3A_150] : memref<10000xi32, #tpu.memory_space<vmem>> -> memref<40xi32, #tpu.memory_space<vmem>>
    %dma_wait3A_152 = arith.constant 0 : i32
    %dma_wait3A_153 = arith.constant 0 : i32
    %dma_wait3A_154 = tpu.memref_slice %arg20[%dma_wait3A_152, %dma_wait3A_153] : memref<10000x128xf32, #tpu.memory_space<vmem_shared>> -> memref<10000x128xf32, #tpu.memory_space<vmem_shared>>
    tpu.wait_indirect_dma semaphore(%arg23 : memref<!tpu.dma_semaphore, #tpu.memory_space<semaphore_mem>>) src(%arg14 : memref<40x128xf32, #tpu.memory_space<vmem>>) dst(%dma_wait3A_154 : memref<10000x128xf32, #tpu.memory_space<vmem_shared>>)
    %dma_wait3A_155 = arith.constant 0 : i32
    %dma_wait3A_156 = tpu.memref_slice %arg18[%dma_wait3A_155] : memref<10000xi32, #tpu.memory_space<vmem>> -> memref<40xi32, #tpu.memory_space<vmem>>
    %dma_wait3A_157 = arith.constant 0 : i32
    %dma_wait3A_158 = arith.constant 0 : i32
    %dma_wait3A_159 = tpu.memref_slice %arg20[%dma_wait3A_157, %dma_wait3A_158] : memref<10000x128xf32, #tpu.memory_space<vmem_shared>> -> memref<10000x128xf32, #tpu.memory_space<vmem_shared>>
    tpu.wait_indirect_dma semaphore(%arg23 : memref<!tpu.dma_semaphore, #tpu.memory_space<semaphore_mem>>) src(%arg15 : memref<40x128xf32, #tpu.memory_space<vmem>>) dst(%dma_wait3A_159 : memref<10000x128xf32, #tpu.memory_space<vmem_shared>>)
    %dma_wait3A_160 = arith.constant 0 : i32
    %dma_wait3A_161 = tpu.memref_slice %arg18[%dma_wait3A_160] : memref<10000xi32, #tpu.memory_space<vmem>> -> memref<40xi32, #tpu.memory_space<vmem>>
    %dma_wait3A_162 = arith.constant 0 : i32
    %dma_wait3A_163 = arith.constant 0 : i32
    %dma_wait3A_164 = tpu.memref_slice %arg20[%dma_wait3A_162, %dma_wait3A_163] : memref<10000x128xf32, #tpu.memory_space<vmem_shared>> -> memref<10000x128xf32, #tpu.memory_space<vmem_shared>>
    tpu.wait_indirect_dma semaphore(%arg23 : memref<!tpu.dma_semaphore, #tpu.memory_space<semaphore_mem>>) src(%arg16 : memref<40x128xf32, #tpu.memory_space<vmem>>) dst(%dma_wait3A_164 : memref<10000x128xf32, #tpu.memory_space<vmem_shared>>)
    %dma_wait3A_165 = arith.constant 0 : i32
    %dma_wait3A_166 = tpu.memref_slice %arg18[%dma_wait3A_165] : memref<10000xi32, #tpu.memory_space<vmem>> -> memref<40xi32, #tpu.memory_space<vmem>>
    %dma_wait3A_167 = arith.constant 0 : i32
    %dma_wait3A_168 = arith.constant 0 : i32
    %dma_wait3A_169 = tpu.memref_slice %arg20[%dma_wait3A_167, %dma_wait3A_168] : memref<10000x128xf32, #tpu.memory_space<vmem_shared>> -> memref<10000x128xf32, #tpu.memory_space<vmem_shared>>
    tpu.wait_indirect_dma semaphore(%arg23 : memref<!tpu.dma_semaphore, #tpu.memory_space<semaphore_mem>>) src(%arg17 : memref<40x128xf32, #tpu.memory_space<vmem>>) dst(%dma_wait3A_169 : memref<10000x128xf32, #tpu.memory_space<vmem_shared>>)
    %broadcast_in_dim3A = arith.constant 1.000000e+00 : f32
    %broadcast_in_dim3A_170 = vector.broadcast %broadcast_in_dim3A : f32 to vector<16xf32>
    %scan3A_171 = arith.constant 0 : i32
    %scan3A_172 = arith.constant 0 : i32
    %scan3A_173 = arith.constant 625 : i32
    %scan3A_174 = arith.addi %scan3A_172, %scan3A_173 : i32
    %scan3A_175 = arith.constant 1 : i32
    scf.for %scan3A_290 = %scan3A_172 to %scan3A_174 step %scan3A_175  : i32 {
      %mul3A_291 = arith.constant 16 : i32
      %mul3A_292 = arith.muli %scan3A_290, %mul3A_291 : i32
      %get3A = arith.index_cast %mul3A_292 : i32 to index
      %get3A_293 = tpu.vector_load %arg18[%get3A] {strides = array<i32>} : memref<10000xi32, #tpu.memory_space<vmem>>, vector<16xi32>,
      %shift_right_logical3A = arith.constant 7 : i32
      %shift_right_logical3A_294 = vector.broadcast %shift_right_logical3A : i32 to vector<16xi32>
      %shift_right_logical3A_295 = arith.shrui %get3A_293, %shift_right_logical3A_294 : vector<16xi32>
      %and3A = arith.constant 127 : i32
      %and3A_296 = vector.broadcast %and3A : i32 to vector<16xi32>
      %and3A_297 = arith.andi %get3A_293, %and3A_296 : vector<16xi32>
      tpu.vector_store_idx %arg19[%shift_right_logical3A_295, %and3A_297], %broadcast_in_dim3A_170 {add = true} : memref<80x128xf32, #tpu.memory_space<vmem>>[vector<16xi32>, vector<16xi32>], vector<16xf32>,
    }
    %scan3A_176 = arith.constant 625 : i32
    %barrier3A_177 = arith.constant 0 : index
    tpu.barrier barrier_id(%barrier3A_177)
    %add3A_178 = arith.constant 0 : i32
    %add3A_179 = arith.addi %arg1, %add3A_178 : i32
    %lt3A_180 = arith.constant 250 : i32
    %lt3A_181 = arith.cmpi slt, %add3A_179, %lt3A_180 : i32
    %convert_element_type3A_182 = arith.extui %lt3A_181 : i1 to i32
    %cond3A_183 = arith.constant 0 : i32
    %cond3A_184 = arith.cmpi ne, %convert_element_type3A_182, %cond3A_183 : i32
    scf.if %cond3A_184 {
      %mul3A_290 = arith.constant 40 : i32
      %mul3A_291 = arith.muli %add3A_179, %mul3A_290 : i32
      "tpu.region"() ({
        %run_scoped3A = tpu.sem_alloc : memref<!tpu.dma_semaphore, #tpu.memory_space<semaphore_mem>>
        %dma_start3A_297 = arith.constant 0 : i32
        %dma_start3A_298 = tpu.memref_slice %arg20[%mul3A_291, %dma_start3A_297] : memref<10000x128xf32, #tpu.memory_space<vmem_shared>> -> memref<40x128xf32, #tpu.memory_space<vmem_shared>>
        %dma_start3A_299 = arith.constant 0 : i32
        %dma_start3A_300 = tpu.memref_slice %arg20[%mul3A_291, %dma_start3A_299] : memref<10000x128xf32, #tpu.memory_space<vmem_shared>> -> memref<40x128xf32, #tpu.memory_space<vmem_shared>>
        tpu.enqueue_dma source(%dma_start3A_300 : memref<40x128xf32, #tpu.memory_space<vmem_shared>>) target(%arg13 : memref<40x128xf32, #tpu.memory_space<vmem>>) target_semaphore(%run_scoped3A : memref<!tpu.dma_semaphore, #tpu.memory_space<semaphore_mem>>)
        %dma_wait3A_301 = arith.constant 0 : i32
        %dma_wait3A_302 = tpu.memref_slice %arg20[%mul3A_291, %dma_wait3A_301] : memref<10000x128xf32, #tpu.memory_space<vmem_shared>> -> memref<40x128xf32, #tpu.memory_space<vmem_shared>>
        %dma_wait3A_303 = arith.constant 0 : i32
        %dma_wait3A_304 = tpu.memref_slice %arg20[%mul3A_291, %dma_wait3A_303] : memref<10000x128xf32, #tpu.memory_space<vmem_shared>> -> memref<40x128xf32, #tpu.memory_space<vmem_shared>>
        tpu.wait_dma2 semaphore(%run_scoped3A : memref<!tpu.dma_semaphore, #tpu.memory_space<semaphore_mem>>) src(%dma_wait3A_304 : memref<40x128xf32, #tpu.memory_space<vmem_shared>>) dst(%arg13 : memref<40x128xf32, #tpu.memory_space<vmem>>)
        tpu.yield
      }) : () -> ()
      %mul3A_292 = arith.constant 10000 : i32
      %mul3A_293 = arith.muli %arg0, %mul3A_292 : i32
      %mul3A_294 = arith.constant 40 : i32
      %mul3A_295 = arith.muli %add3A_179, %mul3A_294 : i32
      %add3A_296 = arith.addi %mul3A_293, %mul3A_295 : i32
      "tpu.region"() ({
        %run_scoped3A = tpu.sem_alloc : memref<!tpu.dma_semaphore, #tpu.memory_space<semaphore_mem>>
        %dma_start3A_297 = arith.constant 0 : i32
        %dma_start3A_298 = tpu.memref_slice %arg6[%add3A_296, %dma_start3A_297] : memref<20000x128xf32, #tpu.memory_space<hbm>> -> memref<40x128xf32, #tpu.memory_space<hbm>>
        %dma_start3A_299 = arith.constant 0 : i32
        %dma_start3A_300 = tpu.memref_slice %arg6[%add3A_296, %dma_start3A_299] : memref<20000x128xf32, #tpu.memory_space<hbm>> -> memref<40x128xf32, #tpu.memory_space<hbm>>
        tpu.enqueue_dma source(%arg13 : memref<40x128xf32, #tpu.memory_space<vmem>>) target(%dma_start3A_300 : memref<40x128xf32, #tpu.memory_space<hbm>>) target_semaphore(%run_scoped3A : memref<!tpu.dma_semaphore, #tpu.memory_space<semaphore_mem>>)
        %dma_wait3A_301 = arith.constant 0 : i32
        %dma_wait3A_302 = tpu.memref_slice %arg6[%add3A_296, %dma_wait3A_301] : memref<20000x128xf32, #tpu.memory_space<hbm>> -> memref<40x128xf32, #tpu.memory_space<hbm>>
        %dma_wait3A_303 = arith.constant 0 : i32
        %dma_wait3A_304 = tpu.memref_slice %arg6[%add3A_296, %dma_wait3A_303] : memref<20000x128xf32, #tpu.memory_space<hbm>> -> memref<40x128xf32, #tpu.memory_space<hbm>>
        tpu.wait_dma2 semaphore(%run_scoped3A : memref<!tpu.dma_semaphore, #tpu.memory_space<semaphore_mem>>) src(%arg13 : memref<40x128xf32, #tpu.memory_space<vmem>>) dst(%dma_wait3A_304 : memref<40x128xf32, #tpu.memory_space<hbm>>)
        tpu.yield
      }) : () -> ()
    } else {
    }
    %add3A_185 = arith.constant 16 : i32
    %add3A_186 = arith.addi %arg1, %add3A_185 : i32
    %lt3A_187 = arith.constant 250 : i32
    %lt3A_188 = arith.cmpi slt, %add3A_186, %lt3A_187 : i32
    %convert_element_type3A_189 = arith.extui %lt3A_188 : i1 to i32
    %cond3A_190 = arith.constant 0 : i32
    %cond3A_191 = arith.cmpi ne, %convert_element_type3A_189, %cond3A_190 : i32
    scf.if %cond3A_191 {
      %mul3A_290 = arith.constant 40 : i32
      %mul3A_291 = arith.muli %add3A_186, %mul3A_290 : i32
      "tpu.region"() ({
        %run_scoped3A = tpu.sem_alloc : memref<!tpu.dma_semaphore, #tpu.memory_space<semaphore_mem>>
        %dma_start3A_297 = arith.constant 0 : i32
        %dma_start3A_298 = tpu.memref_slice %arg20[%mul3A_291, %dma_start3A_297] : memref<10000x128xf32, #tpu.memory_space<vmem_shared>> -> memref<40x128xf32, #tpu.memory_space<vmem_shared>>
        %dma_start3A_299 = arith.constant 0 : i32
        %dma_start3A_300 = tpu.memref_slice %arg20[%mul3A_291, %dma_start3A_299] : memref<10000x128xf32, #tpu.memory_space<vmem_shared>> -> memref<40x128xf32, #tpu.memory_space<vmem_shared>>
        tpu.enqueue_dma source(%dma_start3A_300 : memref<40x128xf32, #tpu.memory_space<vmem_shared>>) target(%arg13 : memref<40x128xf32, #tpu.memory_space<vmem>>) target_semaphore(%run_scoped3A : memref<!tpu.dma_semaphore, #tpu.memory_space<semaphore_mem>>)
        %dma_wait3A_301 = arith.constant 0 : i32
        %dma_wait3A_302 = tpu.memref_slice %arg20[%mul3A_291, %dma_wait3A_301] : memref<10000x128xf32, #tpu.memory_space<vmem_shared>> -> memref<40x128xf32, #tpu.memory_space<vmem_shared>>
        %dma_wait3A_303 = arith.constant 0 : i32
        %dma_wait3A_304 = tpu.memref_slice %arg20[%mul3A_291, %dma_wait3A_303] : memref<10000x128xf32, #tpu.memory_space<vmem_shared>> -> memref<40x128xf32, #tpu.memory_space<vmem_shared>>
        tpu.wait_dma2 semaphore(%run_scoped3A : memref<!tpu.dma_semaphore, #tpu.memory_space<semaphore_mem>>) src(%dma_wait3A_304 : memref<40x128xf32, #tpu.memory_space<vmem_shared>>) dst(%arg13 : memref<40x128xf32, #tpu.memory_space<vmem>>)
        tpu.yield
      }) : () -> ()
      %mul3A_292 = arith.constant 10000 : i32
      %mul3A_293 = arith.muli %arg0, %mul3A_292 : i32
      %mul3A_294 = arith.constant 40 : i32
      %mul3A_295 = arith.muli %add3A_186, %mul3A_294 : i32
      %add3A_296 = arith.addi %mul3A_293, %mul3A_295 : i32
      "tpu.region"() ({
        %run_scoped3A = tpu.sem_alloc : memref<!tpu.dma_semaphore, #tpu.memory_space<semaphore_mem>>
        %dma_start3A_297 = arith.constant 0 : i32
        %dma_start3A_298 = tpu.memref_slice %arg6[%add3A_296, %dma_start3A_297] : memref<20000x128xf32, #tpu.memory_space<hbm>> -> memref<40x128xf32, #tpu.memory_space<hbm>>
        %dma_start3A_299 = arith.constant 0 : i32
        %dma_start3A_300 = tpu.memref_slice %arg6[%add3A_296, %dma_start3A_299] : memref<20000x128xf32, #tpu.memory_space<hbm>> -> memref<40x128xf32, #tpu.memory_space<hbm>>
        tpu.enqueue_dma source(%arg13 : memref<40x128xf32, #tpu.memory_space<vmem>>) target(%dma_start3A_300 : memref<40x128xf32, #tpu.memory_space<hbm>>) target_semaphore(%run_scoped3A : memref<!tpu.dma_semaphore, #tpu.memory_space<semaphore_mem>>)
        %dma_wait3A_301 = arith.constant 0 : i32
        %dma_wait3A_302 = tpu.memref_slice %arg6[%add3A_296, %dma_wait3A_301] : memref<20000x128xf32, #tpu.memory_space<hbm>> -> memref<40x128xf32, #tpu.memory_space<hbm>>
        %dma_wait3A_303 = arith.constant 0 : i32
        %dma_wait3A_304 = tpu.memref_slice %arg6[%add3A_296, %dma_wait3A_303] : memref<20000x128xf32, #tpu.memory_space<hbm>> -> memref<40x128xf32, #tpu.memory_space<hbm>>
        tpu.wait_dma2 semaphore(%run_scoped3A : memref<!tpu.dma_semaphore, #tpu.memory_space<semaphore_mem>>) src(%arg13 : memref<40x128xf32, #tpu.memory_space<vmem>>) dst(%dma_wait3A_304 : memref<40x128xf32, #tpu.memory_space<hbm>>)
        tpu.yield
      }) : () -> ()
    } else {
    }
    %add3A_192 = arith.constant 32 : i32
    %add3A_193 = arith.addi %arg1, %add3A_192 : i32
    %lt3A_194 = arith.constant 250 : i32
    %lt3A_195 = arith.cmpi slt, %add3A_193, %lt3A_194 : i32
    %convert_element_type3A_196 = arith.extui %lt3A_195 : i1 to i32
    %cond3A_197 = arith.constant 0 : i32
    %cond3A_198 = arith.cmpi ne, %convert_element_type3A_196, %cond3A_197 : i32
    scf.if %cond3A_198 {
      %mul3A_290 = arith.constant 40 : i32
      %mul3A_291 = arith.muli %add3A_193, %mul3A_290 : i32
      "tpu.region"() ({
        %run_scoped3A = tpu.sem_alloc : memref<!tpu.dma_semaphore, #tpu.memory_space<semaphore_mem>>
        %dma_start3A_297 = arith.constant 0 : i32
        %dma_start3A_298 = tpu.memref_slice %arg20[%mul3A_291, %dma_start3A_297] : memref<10000x128xf32, #tpu.memory_space<vmem_shared>> -> memref<40x128xf32, #tpu.memory_space<vmem_shared>>
        %dma_start3A_299 = arith.constant 0 : i32
        %dma_start3A_300 = tpu.memref_slice %arg20[%mul3A_291, %dma_start3A_299] : memref<10000x128xf32, #tpu.memory_space<vmem_shared>> -> memref<40x128xf32, #tpu.memory_space<vmem_shared>>
        tpu.enqueue_dma source(%dma_start3A_300 : memref<40x128xf32, #tpu.memory_space<vmem_shared>>) target(%arg13 : memref<40x128xf32, #tpu.memory_space<vmem>>) target_semaphore(%run_scoped3A : memref<!tpu.dma_semaphore, #tpu.memory_space<semaphore_mem>>)
        %dma_wait3A_301 = arith.constant 0 : i32
        %dma_wait3A_302 = tpu.memref_slice %arg20[%mul3A_291, %dma_wait3A_301] : memref<10000x128xf32, #tpu.memory_space<vmem_shared>> -> memref<40x128xf32, #tpu.memory_space<vmem_shared>>
        %dma_wait3A_303 = arith.constant 0 : i32
        %dma_wait3A_304 = tpu.memref_slice %arg20[%mul3A_291, %dma_wait3A_303] : memref<10000x128xf32, #tpu.memory_space<vmem_shared>> -> memref<40x128xf32, #tpu.memory_space<vmem_shared>>
        tpu.wait_dma2 semaphore(%run_scoped3A : memref<!tpu.dma_semaphore, #tpu.memory_space<semaphore_mem>>) src(%dma_wait3A_304 : memref<40x128xf32, #tpu.memory_space<vmem_shared>>) dst(%arg13 : memref<40x128xf32, #tpu.memory_space<vmem>>)
        tpu.yield
      }) : () -> ()
      %mul3A_292 = arith.constant 10000 : i32
      %mul3A_293 = arith.muli %arg0, %mul3A_292 : i32
      %mul3A_294 = arith.constant 40 : i32
      %mul3A_295 = arith.muli %add3A_193, %mul3A_294 : i32
      %add3A_296 = arith.addi %mul3A_293, %mul3A_295 : i32
      "tpu.region"() ({
        %run_scoped3A = tpu.sem_alloc : memref<!tpu.dma_semaphore, #tpu.memory_space<semaphore_mem>>
        %dma_start3A_297 = arith.constant 0 : i32
        %dma_start3A_298 = tpu.memref_slice %arg6[%add3A_296, %dma_start3A_297] : memref<20000x128xf32, #tpu.memory_space<hbm>> -> memref<40x128xf32, #tpu.memory_space<hbm>>
        %dma_start3A_299 = arith.constant 0 : i32
        %dma_start3A_300 = tpu.memref_slice %arg6[%add3A_296, %dma_start3A_299] : memref<20000x128xf32, #tpu.memory_space<hbm>> -> memref<40x128xf32, #tpu.memory_space<hbm>>
        tpu.enqueue_dma source(%arg13 : memref<40x128xf32, #tpu.memory_space<vmem>>) target(%dma_start3A_300 : memref<40x128xf32, #tpu.memory_space<hbm>>) target_semaphore(%run_scoped3A : memref<!tpu.dma_semaphore, #tpu.memory_space<semaphore_mem>>)
        %dma_wait3A_301 = arith.constant 0 : i32
        %dma_wait3A_302 = tpu.memref_slice %arg6[%add3A_296, %dma_wait3A_301] : memref<20000x128xf32, #tpu.memory_space<hbm>> -> memref<40x128xf32, #tpu.memory_space<hbm>>
        %dma_wait3A_303 = arith.constant 0 : i32
        %dma_wait3A_304 = tpu.memref_slice %arg6[%add3A_296, %dma_wait3A_303] : memref<20000x128xf32, #tpu.memory_space<hbm>> -> memref<40x128xf32, #tpu.memory_space<hbm>>
        tpu.wait_dma2 semaphore(%run_scoped3A : memref<!tpu.dma_semaphore, #tpu.memory_space<semaphore_mem>>) src(%arg13 : memref<40x128xf32, #tpu.memory_space<vmem>>) dst(%dma_wait3A_304 : memref<40x128xf32, #tpu.memory_space<hbm>>)
        tpu.yield
      }) : () -> ()
    } else {
    }
    %add3A_199 = arith.constant 48 : i32
    %add3A_200 = arith.addi %arg1, %add3A_199 : i32
    %lt3A_201 = arith.constant 250 : i32
    %lt3A_202 = arith.cmpi slt, %add3A_200, %lt3A_201 : i32
    %convert_element_type3A_203 = arith.extui %lt3A_202 : i1 to i32
    %cond3A_204 = arith.constant 0 : i32
    %cond3A_205 = arith.cmpi ne, %convert_element_type3A_203, %cond3A_204 : i32
    scf.if %cond3A_205 {
      %mul3A_290 = arith.constant 40 : i32
      %mul3A_291 = arith.muli %add3A_200, %mul3A_290 : i32
      "tpu.region"() ({
        %run_scoped3A = tpu.sem_alloc : memref<!tpu.dma_semaphore, #tpu.memory_space<semaphore_mem>>
        %dma_start3A_297 = arith.constant 0 : i32
        %dma_start3A_298 = tpu.memref_slice %arg20[%mul3A_291, %dma_start3A_297] : memref<10000x128xf32, #tpu.memory_space<vmem_shared>> -> memref<40x128xf32, #tpu.memory_space<vmem_shared>>
        %dma_start3A_299 = arith.constant 0 : i32
        %dma_start3A_300 = tpu.memref_slice %arg20[%mul3A_291, %dma_start3A_299] : memref<10000x128xf32, #tpu.memory_space<vmem_shared>> -> memref<40x128xf32, #tpu.memory_space<vmem_shared>>
        tpu.enqueue_dma source(%dma_start3A_300 : memref<40x128xf32, #tpu.memory_space<vmem_shared>>) target(%arg13 : memref<40x128xf32, #tpu.memory_space<vmem>>) target_semaphore(%run_scoped3A : memref<!tpu.dma_semaphore, #tpu.memory_space<semaphore_mem>>)
        %dma_wait3A_301 = arith.constant 0 : i32
        %dma_wait3A_302 = tpu.memref_slice %arg20[%mul3A_291, %dma_wait3A_301] : memref<10000x128xf32, #tpu.memory_space<vmem_shared>> -> memref<40x128xf32, #tpu.memory_space<vmem_shared>>
        %dma_wait3A_303 = arith.constant 0 : i32
        %dma_wait3A_304 = tpu.memref_slice %arg20[%mul3A_291, %dma_wait3A_303] : memref<10000x128xf32, #tpu.memory_space<vmem_shared>> -> memref<40x128xf32, #tpu.memory_space<vmem_shared>>
        tpu.wait_dma2 semaphore(%run_scoped3A : memref<!tpu.dma_semaphore, #tpu.memory_space<semaphore_mem>>) src(%dma_wait3A_304 : memref<40x128xf32, #tpu.memory_space<vmem_shared>>) dst(%arg13 : memref<40x128xf32, #tpu.memory_space<vmem>>)
        tpu.yield
      }) : () -> ()
      %mul3A_292 = arith.constant 10000 : i32
      %mul3A_293 = arith.muli %arg0, %mul3A_292 : i32
      %mul3A_294 = arith.constant 40 : i32
      %mul3A_295 = arith.muli %add3A_200, %mul3A_294 : i32
      %add3A_296 = arith.addi %mul3A_293, %mul3A_295 : i32
      "tpu.region"() ({
        %run_scoped3A = tpu.sem_alloc : memref<!tpu.dma_semaphore, #tpu.memory_space<semaphore_mem>>
        %dma_start3A_297 = arith.constant 0 : i32
        %dma_start3A_298 = tpu.memref_slice %arg6[%add3A_296, %dma_start3A_297] : memref<20000x128xf32, #tpu.memory_space<hbm>> -> memref<40x128xf32, #tpu.memory_space<hbm>>
        %dma_start3A_299 = arith.constant 0 : i32
        %dma_start3A_300 = tpu.memref_slice %arg6[%add3A_296, %dma_start3A_299] : memref<20000x128xf32, #tpu.memory_space<hbm>> -> memref<40x128xf32, #tpu.memory_space<hbm>>
        tpu.enqueue_dma source(%arg13 : memref<40x128xf32, #tpu.memory_space<vmem>>) target(%dma_start3A_300 : memref<40x128xf32, #tpu.memory_space<hbm>>) target_semaphore(%run_scoped3A : memref<!tpu.dma_semaphore, #tpu.memory_space<semaphore_mem>>)
        %dma_wait3A_301 = arith.constant 0 : i32
        %dma_wait3A_302 = tpu.memref_slice %arg6[%add3A_296, %dma_wait3A_301] : memref<20000x128xf32, #tpu.memory_space<hbm>> -> memref<40x128xf32, #tpu.memory_space<hbm>>
        %dma_wait3A_303 = arith.constant 0 : i32
        %dma_wait3A_304 = tpu.memref_slice %arg6[%add3A_296, %dma_wait3A_303] : memref<20000x128xf32, #tpu.memory_space<hbm>> -> memref<40x128xf32, #tpu.memory_space<hbm>>
        tpu.wait_dma2 semaphore(%run_scoped3A : memref<!tpu.dma_semaphore, #tpu.memory_space<semaphore_mem>>) src(%arg13 : memref<40x128xf32, #tpu.memory_space<vmem>>) dst(%dma_wait3A_304 : memref<40x128xf32, #tpu.memory_space<hbm>>)
        tpu.yield
      }) : () -> ()
    } else {
    }
    %add3A_206 = arith.constant 64 : i32
    %add3A_207 = arith.addi %arg1, %add3A_206 : i32
    %lt3A_208 = arith.constant 250 : i32
    %lt3A_209 = arith.cmpi slt, %add3A_207, %lt3A_208 : i32
    %convert_element_type3A_210 = arith.extui %lt3A_209 : i1 to i32
    %cond3A_211 = arith.constant 0 : i32
    %cond3A_212 = arith.cmpi ne, %convert_element_type3A_210, %cond3A_211 : i32
    scf.if %cond3A_212 {
      %mul3A_290 = arith.constant 40 : i32
      %mul3A_291 = arith.muli %add3A_207, %mul3A_290 : i32
      "tpu.region"() ({
        %run_scoped3A = tpu.sem_alloc : memref<!tpu.dma_semaphore, #tpu.memory_space<semaphore_mem>>
        %dma_start3A_297 = arith.constant 0 : i32
        %dma_start3A_298 = tpu.memref_slice %arg20[%mul3A_291, %dma_start3A_297] : memref<10000x128xf32, #tpu.memory_space<vmem_shared>> -> memref<40x128xf32, #tpu.memory_space<vmem_shared>>
        %dma_start3A_299 = arith.constant 0 : i32
        %dma_start3A_300 = tpu.memref_slice %arg20[%mul3A_291, %dma_start3A_299] : memref<10000x128xf32, #tpu.memory_space<vmem_shared>> -> memref<40x128xf32, #tpu.memory_space<vmem_shared>>
        tpu.enqueue_dma source(%dma_start3A_300 : memref<40x128xf32, #tpu.memory_space<vmem_shared>>) target(%arg13 : memref<40x128xf32, #tpu.memory_space<vmem>>) target_semaphore(%run_scoped3A : memref<!tpu.dma_semaphore, #tpu.memory_space<semaphore_mem>>)
        %dma_wait3A_301 = arith.constant 0 : i32
        %dma_wait3A_302 = tpu.memref_slice %arg20[%mul3A_291, %dma_wait3A_301] : memref<10000x128xf32, #tpu.memory_space<vmem_shared>> -> memref<40x128xf32, #tpu.memory_space<vmem_shared>>
        %dma_wait3A_303 = arith.constant 0 : i32
        %dma_wait3A_304 = tpu.memref_slice %arg20[%mul3A_291, %dma_wait3A_303] : memref<10000x128xf32, #tpu.memory_space<vmem_shared>> -> memref<40x128xf32, #tpu.memory_space<vmem_shared>>
        tpu.wait_dma2 semaphore(%run_scoped3A : memref<!tpu.dma_semaphore, #tpu.memory_space<semaphore_mem>>) src(%dma_wait3A_304 : memref<40x128xf32, #tpu.memory_space<vmem_shared>>) dst(%arg13 : memref<40x128xf32, #tpu.memory_space<vmem>>)
        tpu.yield
      }) : () -> ()
      %mul3A_292 = arith.constant 10000 : i32
      %mul3A_293 = arith.muli %arg0, %mul3A_292 : i32
      %mul3A_294 = arith.constant 40 : i32
      %mul3A_295 = arith.muli %add3A_207, %mul3A_294 : i32
      %add3A_296 = arith.addi %mul3A_293, %mul3A_295 : i32
      "tpu.region"() ({
        %run_scoped3A = tpu.sem_alloc : memref<!tpu.dma_semaphore, #tpu.memory_space<semaphore_mem>>
        %dma_start3A_297 = arith.constant 0 : i32
        %dma_start3A_298 = tpu.memref_slice %arg6[%add3A_296, %dma_start3A_297] : memref<20000x128xf32, #tpu.memory_space<hbm>> -> memref<40x128xf32, #tpu.memory_space<hbm>>
        %dma_start3A_299 = arith.constant 0 : i32
        %dma_start3A_300 = tpu.memref_slice %arg6[%add3A_296, %dma_start3A_299] : memref<20000x128xf32, #tpu.memory_space<hbm>> -> memref<40x128xf32, #tpu.memory_space<hbm>>
        tpu.enqueue_dma source(%arg13 : memref<40x128xf32, #tpu.memory_space<vmem>>) target(%dma_start3A_300 : memref<40x128xf32, #tpu.memory_space<hbm>>) target_semaphore(%run_scoped3A : memref<!tpu.dma_semaphore, #tpu.memory_space<semaphore_mem>>)
        %dma_wait3A_301 = arith.constant 0 : i32
        %dma_wait3A_302 = tpu.memref_slice %arg6[%add3A_296, %dma_wait3A_301] : memref<20000x128xf32, #tpu.memory_space<hbm>> -> memref<40x128xf32, #tpu.memory_space<hbm>>
        %dma_wait3A_303 = arith.constant 0 : i32
        %dma_wait3A_304 = tpu.memref_slice %arg6[%add3A_296, %dma_wait3A_303] : memref<20000x128xf32, #tpu.memory_space<hbm>> -> memref<40x128xf32, #tpu.memory_space<hbm>>
        tpu.wait_dma2 semaphore(%run_scoped3A : memref<!tpu.dma_semaphore, #tpu.memory_space<semaphore_mem>>) src(%arg13 : memref<40x128xf32, #tpu.memory_space<vmem>>) dst(%dma_wait3A_304 : memref<40x128xf32, #tpu.memory_space<hbm>>)
        tpu.yield
      }) : () -> ()
    } else {
    }
    %add3A_213 = arith.constant 80 : i32
    %add3A_214 = arith.addi %arg1, %add3A_213 : i32
    %lt3A_215 = arith.constant 250 : i32
    %lt3A_216 = arith.cmpi slt, %add3A_214, %lt3A_215 : i32
    %convert_element_type3A_217 = arith.extui %lt3A_216 : i1 to i32
    %cond3A_218 = arith.constant 0 : i32
    %cond3A_219 = arith.cmpi ne, %convert_element_type3A_217, %cond3A_218 : i32
    scf.if %cond3A_219 {
      %mul3A_290 = arith.constant 40 : i32
      %mul3A_291 = arith.muli %add3A_214, %mul3A_290 : i32
      "tpu.region"() ({
        %run_scoped3A = tpu.sem_alloc : memref<!tpu.dma_semaphore, #tpu.memory_space<semaphore_mem>>
        %dma_start3A_297 = arith.constant 0 : i32
        %dma_start3A_298 = tpu.memref_slice %arg20[%mul3A_291, %dma_start3A_297] : memref<10000x128xf32, #tpu.memory_space<vmem_shared>> -> memref<40x128xf32, #tpu.memory_space<vmem_shared>>
        %dma_start3A_299 = arith.constant 0 : i32
        %dma_start3A_300 = tpu.memref_slice %arg20[%mul3A_291, %dma_start3A_299] : memref<10000x128xf32, #tpu.memory_space<vmem_shared>> -> memref<40x128xf32, #tpu.memory_space<vmem_shared>>
        tpu.enqueue_dma source(%dma_start3A_300 : memref<40x128xf32, #tpu.memory_space<vmem_shared>>) target(%arg13 : memref<40x128xf32, #tpu.memory_space<vmem>>) target_semaphore(%run_scoped3A : memref<!tpu.dma_semaphore, #tpu.memory_space<semaphore_mem>>)
        %dma_wait3A_301 = arith.constant 0 : i32
        %dma_wait3A_302 = tpu.memref_slice %arg20[%mul3A_291, %dma_wait3A_301] : memref<10000x128xf32, #tpu.memory_space<vmem_shared>> -> memref<40x128xf32, #tpu.memory_space<vmem_shared>>
        %dma_wait3A_303 = arith.constant 0 : i32
        %dma_wait3A_304 = tpu.memref_slice %arg20[%mul3A_291, %dma_wait3A_303] : memref<10000x128xf32, #tpu.memory_space<vmem_shared>> -> memref<40x128xf32, #tpu.memory_space<vmem_shared>>
        tpu.wait_dma2 semaphore(%run_scoped3A : memref<!tpu.dma_semaphore, #tpu.memory_space<semaphore_mem>>) src(%dma_wait3A_304 : memref<40x128xf32, #tpu.memory_space<vmem_shared>>) dst(%arg13 : memref<40x128xf32, #tpu.memory_space<vmem>>)
        tpu.yield
      }) : () -> ()
      %mul3A_292 = arith.constant 10000 : i32
      %mul3A_293 = arith.muli %arg0, %mul3A_292 : i32
      %mul3A_294 = arith.constant 40 : i32
      %mul3A_295 = arith.muli %add3A_214, %mul3A_294 : i32
      %add3A_296 = arith.addi %mul3A_293, %mul3A_295 : i32
      "tpu.region"() ({
        %run_scoped3A = tpu.sem_alloc : memref<!tpu.dma_semaphore, #tpu.memory_space<semaphore_mem>>
        %dma_start3A_297 = arith.constant 0 : i32
        %dma_start3A_298 = tpu.memref_slice %arg6[%add3A_296, %dma_start3A_297] : memref<20000x128xf32, #tpu.memory_space<hbm>> -> memref<40x128xf32, #tpu.memory_space<hbm>>
        %dma_start3A_299 = arith.constant 0 : i32
        %dma_start3A_300 = tpu.memref_slice %arg6[%add3A_296, %dma_start3A_299] : memref<20000x128xf32, #tpu.memory_space<hbm>> -> memref<40x128xf32, #tpu.memory_space<hbm>>
        tpu.enqueue_dma source(%arg13 : memref<40x128xf32, #tpu.memory_space<vmem>>) target(%dma_start3A_300 : memref<40x128xf32, #tpu.memory_space<hbm>>) target_semaphore(%run_scoped3A : memref<!tpu.dma_semaphore, #tpu.memory_space<semaphore_mem>>)
        %dma_wait3A_301 = arith.constant 0 : i32
        %dma_wait3A_302 = tpu.memref_slice %arg6[%add3A_296, %dma_wait3A_301] : memref<20000x128xf32, #tpu.memory_space<hbm>> -> memref<40x128xf32, #tpu.memory_space<hbm>>
        %dma_wait3A_303 = arith.constant 0 : i32
        %dma_wait3A_304 = tpu.memref_slice %arg6[%add3A_296, %dma_wait3A_303] : memref<20000x128xf32, #tpu.memory_space<hbm>> -> memref<40x128xf32, #tpu.memory_space<hbm>>
        tpu.wait_dma2 semaphore(%run_scoped3A : memref<!tpu.dma_semaphore, #tpu.memory_space<semaphore_mem>>) src(%arg13 : memref<40x128xf32, #tpu.memory_space<vmem>>) dst(%dma_wait3A_304 : memref<40x128xf32, #tpu.memory_space<hbm>>)
        tpu.yield
      }) : () -> ()
    } else {
    }
    %add3A_220 = arith.constant 96 : i32
    %add3A_221 = arith.addi %arg1, %add3A_220 : i32
    %lt3A_222 = arith.constant 250 : i32
    %lt3A_223 = arith.cmpi slt, %add3A_221, %lt3A_222 : i32
    %convert_element_type3A_224 = arith.extui %lt3A_223 : i1 to i32
    %cond3A_225 = arith.constant 0 : i32
    %cond3A_226 = arith.cmpi ne, %convert_element_type3A_224, %cond3A_225 : i32
    scf.if %cond3A_226 {
      %mul3A_290 = arith.constant 40 : i32
      %mul3A_291 = arith.muli %add3A_221, %mul3A_290 : i32
      "tpu.region"() ({
        %run_scoped3A = tpu.sem_alloc : memref<!tpu.dma_semaphore, #tpu.memory_space<semaphore_mem>>
        %dma_start3A_297 = arith.constant 0 : i32
        %dma_start3A_298 = tpu.memref_slice %arg20[%mul3A_291, %dma_start3A_297] : memref<10000x128xf32, #tpu.memory_space<vmem_shared>> -> memref<40x128xf32, #tpu.memory_space<vmem_shared>>
        %dma_start3A_299 = arith.constant 0 : i32
        %dma_start3A_300 = tpu.memref_slice %arg20[%mul3A_291, %dma_start3A_299] : memref<10000x128xf32, #tpu.memory_space<vmem_shared>> -> memref<40x128xf32, #tpu.memory_space<vmem_shared>>
        tpu.enqueue_dma source(%dma_start3A_300 : memref<40x128xf32, #tpu.memory_space<vmem_shared>>) target(%arg13 : memref<40x128xf32, #tpu.memory_space<vmem>>) target_semaphore(%run_scoped3A : memref<!tpu.dma_semaphore, #tpu.memory_space<semaphore_mem>>)
        %dma_wait3A_301 = arith.constant 0 : i32
        %dma_wait3A_302 = tpu.memref_slice %arg20[%mul3A_291, %dma_wait3A_301] : memref<10000x128xf32, #tpu.memory_space<vmem_shared>> -> memref<40x128xf32, #tpu.memory_space<vmem_shared>>
        %dma_wait3A_303 = arith.constant 0 : i32
        %dma_wait3A_304 = tpu.memref_slice %arg20[%mul3A_291, %dma_wait3A_303] : memref<10000x128xf32, #tpu.memory_space<vmem_shared>> -> memref<40x128xf32, #tpu.memory_space<vmem_shared>>
        tpu.wait_dma2 semaphore(%run_scoped3A : memref<!tpu.dma_semaphore, #tpu.memory_space<semaphore_mem>>) src(%dma_wait3A_304 : memref<40x128xf32, #tpu.memory_space<vmem_shared>>) dst(%arg13 : memref<40x128xf32, #tpu.memory_space<vmem>>)
        tpu.yield
      }) : () -> ()
      %mul3A_292 = arith.constant 10000 : i32
      %mul3A_293 = arith.muli %arg0, %mul3A_292 : i32
      %mul3A_294 = arith.constant 40 : i32
      %mul3A_295 = arith.muli %add3A_221, %mul3A_294 : i32
      %add3A_296 = arith.addi %mul3A_293, %mul3A_295 : i32
      "tpu.region"() ({
        %run_scoped3A = tpu.sem_alloc : memref<!tpu.dma_semaphore, #tpu.memory_space<semaphore_mem>>
        %dma_start3A_297 = arith.constant 0 : i32
        %dma_start3A_298 = tpu.memref_slice %arg6[%add3A_296, %dma_start3A_297] : memref<20000x128xf32, #tpu.memory_space<hbm>> -> memref<40x128xf32, #tpu.memory_space<hbm>>
        %dma_start3A_299 = arith.constant 0 : i32
        %dma_start3A_300 = tpu.memref_slice %arg6[%add3A_296, %dma_start3A_299] : memref<20000x128xf32, #tpu.memory_space<hbm>> -> memref<40x128xf32, #tpu.memory_space<hbm>>
        tpu.enqueue_dma source(%arg13 : memref<40x128xf32, #tpu.memory_space<vmem>>) target(%dma_start3A_300 : memref<40x128xf32, #tpu.memory_space<hbm>>) target_semaphore(%run_scoped3A : memref<!tpu.dma_semaphore, #tpu.memory_space<semaphore_mem>>)
        %dma_wait3A_301 = arith.constant 0 : i32
        %dma_wait3A_302 = tpu.memref_slice %arg6[%add3A_296, %dma_wait3A_301] : memref<20000x128xf32, #tpu.memory_space<hbm>> -> memref<40x128xf32, #tpu.memory_space<hbm>>
        %dma_wait3A_303 = arith.constant 0 : i32
        %dma_wait3A_304 = tpu.memref_slice %arg6[%add3A_296, %dma_wait3A_303] : memref<20000x128xf32, #tpu.memory_space<hbm>> -> memref<40x128xf32, #tpu.memory_space<hbm>>
        tpu.wait_dma2 semaphore(%run_scoped3A : memref<!tpu.dma_semaphore, #tpu.memory_space<semaphore_mem>>) src(%arg13 : memref<40x128xf32, #tpu.memory_space<vmem>>) dst(%dma_wait3A_304 : memref<40x128xf32, #tpu.memory_space<hbm>>)
        tpu.yield
      }) : () -> ()
    } else {
    }
    %add3A_227 = arith.constant 112 : i32
    %add3A_228 = arith.addi %arg1, %add3A_227 : i32
    %lt3A_229 = arith.constant 250 : i32
    %lt3A_230 = arith.cmpi slt, %add3A_228, %lt3A_229 : i32
    %convert_element_type3A_231 = arith.extui %lt3A_230 : i1 to i32
    %cond3A_232 = arith.constant 0 : i32
    %cond3A_233 = arith.cmpi ne, %convert_element_type3A_231, %cond3A_232 : i32
    scf.if %cond3A_233 {
      %mul3A_290 = arith.constant 40 : i32
      %mul3A_291 = arith.muli %add3A_228, %mul3A_290 : i32
      "tpu.region"() ({
        %run_scoped3A = tpu.sem_alloc : memref<!tpu.dma_semaphore, #tpu.memory_space<semaphore_mem>>
        %dma_start3A_297 = arith.constant 0 : i32
        %dma_start3A_298 = tpu.memref_slice %arg20[%mul3A_291, %dma_start3A_297] : memref<10000x128xf32, #tpu.memory_space<vmem_shared>> -> memref<40x128xf32, #tpu.memory_space<vmem_shared>>
        %dma_start3A_299 = arith.constant 0 : i32
        %dma_start3A_300 = tpu.memref_slice %arg20[%mul3A_291, %dma_start3A_299] : memref<10000x128xf32, #tpu.memory_space<vmem_shared>> -> memref<40x128xf32, #tpu.memory_space<vmem_shared>>
        tpu.enqueue_dma source(%dma_start3A_300 : memref<40x128xf32, #tpu.memory_space<vmem_shared>>) target(%arg13 : memref<40x128xf32, #tpu.memory_space<vmem>>) target_semaphore(%run_scoped3A : memref<!tpu.dma_semaphore, #tpu.memory_space<semaphore_mem>>)
        %dma_wait3A_301 = arith.constant 0 : i32
        %dma_wait3A_302 = tpu.memref_slice %arg20[%mul3A_291, %dma_wait3A_301] : memref<10000x128xf32, #tpu.memory_space<vmem_shared>> -> memref<40x128xf32, #tpu.memory_space<vmem_shared>>
        %dma_wait3A_303 = arith.constant 0 : i32
        %dma_wait3A_304 = tpu.memref_slice %arg20[%mul3A_291, %dma_wait3A_303] : memref<10000x128xf32, #tpu.memory_space<vmem_shared>> -> memref<40x128xf32, #tpu.memory_space<vmem_shared>>
        tpu.wait_dma2 semaphore(%run_scoped3A : memref<!tpu.dma_semaphore, #tpu.memory_space<semaphore_mem>>) src(%dma_wait3A_304 : memref<40x128xf32, #tpu.memory_space<vmem_shared>>) dst(%arg13 : memref<40x128xf32, #tpu.memory_space<vmem>>)
        tpu.yield
      }) : () -> ()
      %mul3A_292 = arith.constant 10000 : i32
      %mul3A_293 = arith.muli %arg0, %mul3A_292 : i32
      %mul3A_294 = arith.constant 40 : i32
      %mul3A_295 = arith.muli %add3A_228, %mul3A_294 : i32
      %add3A_296 = arith.addi %mul3A_293, %mul3A_295 : i32
      "tpu.region"() ({
        %run_scoped3A = tpu.sem_alloc : memref<!tpu.dma_semaphore, #tpu.memory_space<semaphore_mem>>
        %dma_start3A_297 = arith.constant 0 : i32
        %dma_start3A_298 = tpu.memref_slice %arg6[%add3A_296, %dma_start3A_297] : memref<20000x128xf32, #tpu.memory_space<hbm>> -> memref<40x128xf32, #tpu.memory_space<hbm>>
        %dma_start3A_299 = arith.constant 0 : i32
        %dma_start3A_300 = tpu.memref_slice %arg6[%add3A_296, %dma_start3A_299] : memref<20000x128xf32, #tpu.memory_space<hbm>> -> memref<40x128xf32, #tpu.memory_space<hbm>>
        tpu.enqueue_dma source(%arg13 : memref<40x128xf32, #tpu.memory_space<vmem>>) target(%dma_start3A_300 : memref<40x128xf32, #tpu.memory_space<hbm>>) target_semaphore(%run_scoped3A : memref<!tpu.dma_semaphore, #tpu.memory_space<semaphore_mem>>)
        %dma_wait3A_301 = arith.constant 0 : i32
        %dma_wait3A_302 = tpu.memref_slice %arg6[%add3A_296, %dma_wait3A_301] : memref<20000x128xf32, #tpu.memory_space<hbm>> -> memref<40x128xf32, #tpu.memory_space<hbm>>
        %dma_wait3A_303 = arith.constant 0 : i32
        %dma_wait3A_304 = tpu.memref_slice %arg6[%add3A_296, %dma_wait3A_303] : memref<20000x128xf32, #tpu.memory_space<hbm>> -> memref<40x128xf32, #tpu.memory_space<hbm>>
        tpu.wait_dma2 semaphore(%run_scoped3A : memref<!tpu.dma_semaphore, #tpu.memory_space<semaphore_mem>>) src(%arg13 : memref<40x128xf32, #tpu.memory_space<vmem>>) dst(%dma_wait3A_304 : memref<40x128xf32, #tpu.memory_space<hbm>>)
        tpu.yield
      }) : () -> ()
    } else {
    }
    %add3A_234 = arith.constant 128 : i32
    %add3A_235 = arith.addi %arg1, %add3A_234 : i32
    %lt3A_236 = arith.constant 250 : i32
    %lt3A_237 = arith.cmpi slt, %add3A_235, %lt3A_236 : i32
    %convert_element_type3A_238 = arith.extui %lt3A_237 : i1 to i32
    %cond3A_239 = arith.constant 0 : i32
    %cond3A_240 = arith.cmpi ne, %convert_element_type3A_238, %cond3A_239 : i32
    scf.if %cond3A_240 {
      %mul3A_290 = arith.constant 40 : i32
      %mul3A_291 = arith.muli %add3A_235, %mul3A_290 : i32
      "tpu.region"() ({
        %run_scoped3A = tpu.sem_alloc : memref<!tpu.dma_semaphore, #tpu.memory_space<semaphore_mem>>
        %dma_start3A_297 = arith.constant 0 : i32
        %dma_start3A_298 = tpu.memref_slice %arg20[%mul3A_291, %dma_start3A_297] : memref<10000x128xf32, #tpu.memory_space<vmem_shared>> -> memref<40x128xf32, #tpu.memory_space<vmem_shared>>
        %dma_start3A_299 = arith.constant 0 : i32
        %dma_start3A_300 = tpu.memref_slice %arg20[%mul3A_291, %dma_start3A_299] : memref<10000x128xf32, #tpu.memory_space<vmem_shared>> -> memref<40x128xf32, #tpu.memory_space<vmem_shared>>
        tpu.enqueue_dma source(%dma_start3A_300 : memref<40x128xf32, #tpu.memory_space<vmem_shared>>) target(%arg13 : memref<40x128xf32, #tpu.memory_space<vmem>>) target_semaphore(%run_scoped3A : memref<!tpu.dma_semaphore, #tpu.memory_space<semaphore_mem>>)
        %dma_wait3A_301 = arith.constant 0 : i32
        %dma_wait3A_302 = tpu.memref_slice %arg20[%mul3A_291, %dma_wait3A_301] : memref<10000x128xf32, #tpu.memory_space<vmem_shared>> -> memref<40x128xf32, #tpu.memory_space<vmem_shared>>
        %dma_wait3A_303 = arith.constant 0 : i32
        %dma_wait3A_304 = tpu.memref_slice %arg20[%mul3A_291, %dma_wait3A_303] : memref<10000x128xf32, #tpu.memory_space<vmem_shared>> -> memref<40x128xf32, #tpu.memory_space<vmem_shared>>
        tpu.wait_dma2 semaphore(%run_scoped3A : memref<!tpu.dma_semaphore, #tpu.memory_space<semaphore_mem>>) src(%dma_wait3A_304 : memref<40x128xf32, #tpu.memory_space<vmem_shared>>) dst(%arg13 : memref<40x128xf32, #tpu.memory_space<vmem>>)
        tpu.yield
      }) : () -> ()
      %mul3A_292 = arith.constant 10000 : i32
      %mul3A_293 = arith.muli %arg0, %mul3A_292 : i32
      %mul3A_294 = arith.constant 40 : i32
      %mul3A_295 = arith.muli %add3A_235, %mul3A_294 : i32
      %add3A_296 = arith.addi %mul3A_293, %mul3A_295 : i32
      "tpu.region"() ({
        %run_scoped3A = tpu.sem_alloc : memref<!tpu.dma_semaphore, #tpu.memory_space<semaphore_mem>>
        %dma_start3A_297 = arith.constant 0 : i32
        %dma_start3A_298 = tpu.memref_slice %arg6[%add3A_296, %dma_start3A_297] : memref<20000x128xf32, #tpu.memory_space<hbm>> -> memref<40x128xf32, #tpu.memory_space<hbm>>
        %dma_start3A_299 = arith.constant 0 : i32
        %dma_start3A_300 = tpu.memref_slice %arg6[%add3A_296, %dma_start3A_299] : memref<20000x128xf32, #tpu.memory_space<hbm>> -> memref<40x128xf32, #tpu.memory_space<hbm>>
        tpu.enqueue_dma source(%arg13 : memref<40x128xf32, #tpu.memory_space<vmem>>) target(%dma_start3A_300 : memref<40x128xf32, #tpu.memory_space<hbm>>) target_semaphore(%run_scoped3A : memref<!tpu.dma_semaphore, #tpu.memory_space<semaphore_mem>>)
        %dma_wait3A_301 = arith.constant 0 : i32
        %dma_wait3A_302 = tpu.memref_slice %arg6[%add3A_296, %dma_wait3A_301] : memref<20000x128xf32, #tpu.memory_space<hbm>> -> memref<40x128xf32, #tpu.memory_space<hbm>>
        %dma_wait3A_303 = arith.constant 0 : i32
        %dma_wait3A_304 = tpu.memref_slice %arg6[%add3A_296, %dma_wait3A_303] : memref<20000x128xf32, #tpu.memory_space<hbm>> -> memref<40x128xf32, #tpu.memory_space<hbm>>
        tpu.wait_dma2 semaphore(%run_scoped3A : memref<!tpu.dma_semaphore, #tpu.memory_space<semaphore_mem>>) src(%arg13 : memref<40x128xf32, #tpu.memory_space<vmem>>) dst(%dma_wait3A_304 : memref<40x128xf32, #tpu.memory_space<hbm>>)
        tpu.yield
      }) : () -> ()
    } else {
    }
    %add3A_241 = arith.constant 144 : i32
    %add3A_242 = arith.addi %arg1, %add3A_241 : i32
    %lt3A_243 = arith.constant 250 : i32
    %lt3A_244 = arith.cmpi slt, %add3A_242, %lt3A_243 : i32
    %convert_element_type3A_245 = arith.extui %lt3A_244 : i1 to i32
    %cond3A_246 = arith.constant 0 : i32
    %cond3A_247 = arith.cmpi ne, %convert_element_type3A_245, %cond3A_246 : i32
    scf.if %cond3A_247 {
      %mul3A_290 = arith.constant 40 : i32
      %mul3A_291 = arith.muli %add3A_242, %mul3A_290 : i32
      "tpu.region"() ({
        %run_scoped3A = tpu.sem_alloc : memref<!tpu.dma_semaphore, #tpu.memory_space<semaphore_mem>>
        %dma_start3A_297 = arith.constant 0 : i32
        %dma_start3A_298 = tpu.memref_slice %arg20[%mul3A_291, %dma_start3A_297] : memref<10000x128xf32, #tpu.memory_space<vmem_shared>> -> memref<40x128xf32, #tpu.memory_space<vmem_shared>>
        %dma_start3A_299 = arith.constant 0 : i32
        %dma_start3A_300 = tpu.memref_slice %arg20[%mul3A_291, %dma_start3A_299] : memref<10000x128xf32, #tpu.memory_space<vmem_shared>> -> memref<40x128xf32, #tpu.memory_space<vmem_shared>>
        tpu.enqueue_dma source(%dma_start3A_300 : memref<40x128xf32, #tpu.memory_space<vmem_shared>>) target(%arg13 : memref<40x128xf32, #tpu.memory_space<vmem>>) target_semaphore(%run_scoped3A : memref<!tpu.dma_semaphore, #tpu.memory_space<semaphore_mem>>)
        %dma_wait3A_301 = arith.constant 0 : i32
        %dma_wait3A_302 = tpu.memref_slice %arg20[%mul3A_291, %dma_wait3A_301] : memref<10000x128xf32, #tpu.memory_space<vmem_shared>> -> memref<40x128xf32, #tpu.memory_space<vmem_shared>>
        %dma_wait3A_303 = arith.constant 0 : i32
        %dma_wait3A_304 = tpu.memref_slice %arg20[%mul3A_291, %dma_wait3A_303] : memref<10000x128xf32, #tpu.memory_space<vmem_shared>> -> memref<40x128xf32, #tpu.memory_space<vmem_shared>>
        tpu.wait_dma2 semaphore(%run_scoped3A : memref<!tpu.dma_semaphore, #tpu.memory_space<semaphore_mem>>) src(%dma_wait3A_304 : memref<40x128xf32, #tpu.memory_space<vmem_shared>>) dst(%arg13 : memref<40x128xf32, #tpu.memory_space<vmem>>)
        tpu.yield
      }) : () -> ()
      %mul3A_292 = arith.constant 10000 : i32
      %mul3A_293 = arith.muli %arg0, %mul3A_292 : i32
      %mul3A_294 = arith.constant 40 : i32
      %mul3A_295 = arith.muli %add3A_242, %mul3A_294 : i32
      %add3A_296 = arith.addi %mul3A_293, %mul3A_295 : i32
      "tpu.region"() ({
        %run_scoped3A = tpu.sem_alloc : memref<!tpu.dma_semaphore, #tpu.memory_space<semaphore_mem>>
        %dma_start3A_297 = arith.constant 0 : i32
        %dma_start3A_298 = tpu.memref_slice %arg6[%add3A_296, %dma_start3A_297] : memref<20000x128xf32, #tpu.memory_space<hbm>> -> memref<40x128xf32, #tpu.memory_space<hbm>>
        %dma_start3A_299 = arith.constant 0 : i32
        %dma_start3A_300 = tpu.memref_slice %arg6[%add3A_296, %dma_start3A_299] : memref<20000x128xf32, #tpu.memory_space<hbm>> -> memref<40x128xf32, #tpu.memory_space<hbm>>
        tpu.enqueue_dma source(%arg13 : memref<40x128xf32, #tpu.memory_space<vmem>>) target(%dma_start3A_300 : memref<40x128xf32, #tpu.memory_space<hbm>>) target_semaphore(%run_scoped3A : memref<!tpu.dma_semaphore, #tpu.memory_space<semaphore_mem>>)
        %dma_wait3A_301 = arith.constant 0 : i32
        %dma_wait3A_302 = tpu.memref_slice %arg6[%add3A_296, %dma_wait3A_301] : memref<20000x128xf32, #tpu.memory_space<hbm>> -> memref<40x128xf32, #tpu.memory_space<hbm>>
        %dma_wait3A_303 = arith.constant 0 : i32
        %dma_wait3A_304 = tpu.memref_slice %arg6[%add3A_296, %dma_wait3A_303] : memref<20000x128xf32, #tpu.memory_space<hbm>> -> memref<40x128xf32, #tpu.memory_space<hbm>>
        tpu.wait_dma2 semaphore(%run_scoped3A : memref<!tpu.dma_semaphore, #tpu.memory_space<semaphore_mem>>) src(%arg13 : memref<40x128xf32, #tpu.memory_space<vmem>>) dst(%dma_wait3A_304 : memref<40x128xf32, #tpu.memory_space<hbm>>)
        tpu.yield
      }) : () -> ()
    } else {
    }
    %add3A_248 = arith.constant 160 : i32
    %add3A_249 = arith.addi %arg1, %add3A_248 : i32
    %lt3A_250 = arith.constant 250 : i32
    %lt3A_251 = arith.cmpi slt, %add3A_249, %lt3A_250 : i32
    %convert_element_type3A_252 = arith.extui %lt3A_251 : i1 to i32
    %cond3A_253 = arith.constant 0 : i32
    %cond3A_254 = arith.cmpi ne, %convert_element_type3A_252, %cond3A_253 : i32
    scf.if %cond3A_254 {
      %mul3A_290 = arith.constant 40 : i32
      %mul3A_291 = arith.muli %add3A_249, %mul3A_290 : i32
      "tpu.region"() ({
        %run_scoped3A = tpu.sem_alloc : memref<!tpu.dma_semaphore, #tpu.memory_space<semaphore_mem>>
        %dma_start3A_297 = arith.constant 0 : i32
        %dma_start3A_298 = tpu.memref_slice %arg20[%mul3A_291, %dma_start3A_297] : memref<10000x128xf32, #tpu.memory_space<vmem_shared>> -> memref<40x128xf32, #tpu.memory_space<vmem_shared>>
        %dma_start3A_299 = arith.constant 0 : i32
        %dma_start3A_300 = tpu.memref_slice %arg20[%mul3A_291, %dma_start3A_299] : memref<10000x128xf32, #tpu.memory_space<vmem_shared>> -> memref<40x128xf32, #tpu.memory_space<vmem_shared>>
        tpu.enqueue_dma source(%dma_start3A_300 : memref<40x128xf32, #tpu.memory_space<vmem_shared>>) target(%arg13 : memref<40x128xf32, #tpu.memory_space<vmem>>) target_semaphore(%run_scoped3A : memref<!tpu.dma_semaphore, #tpu.memory_space<semaphore_mem>>)
        %dma_wait3A_301 = arith.constant 0 : i32
        %dma_wait3A_302 = tpu.memref_slice %arg20[%mul3A_291, %dma_wait3A_301] : memref<10000x128xf32, #tpu.memory_space<vmem_shared>> -> memref<40x128xf32, #tpu.memory_space<vmem_shared>>
        %dma_wait3A_303 = arith.constant 0 : i32
        %dma_wait3A_304 = tpu.memref_slice %arg20[%mul3A_291, %dma_wait3A_303] : memref<10000x128xf32, #tpu.memory_space<vmem_shared>> -> memref<40x128xf32, #tpu.memory_space<vmem_shared>>
        tpu.wait_dma2 semaphore(%run_scoped3A : memref<!tpu.dma_semaphore, #tpu.memory_space<semaphore_mem>>) src(%dma_wait3A_304 : memref<40x128xf32, #tpu.memory_space<vmem_shared>>) dst(%arg13 : memref<40x128xf32, #tpu.memory_space<vmem>>)
        tpu.yield
      }) : () -> ()
      %mul3A_292 = arith.constant 10000 : i32
      %mul3A_293 = arith.muli %arg0, %mul3A_292 : i32
      %mul3A_294 = arith.constant 40 : i32
      %mul3A_295 = arith.muli %add3A_249, %mul3A_294 : i32
      %add3A_296 = arith.addi %mul3A_293, %mul3A_295 : i32
      "tpu.region"() ({
        %run_scoped3A = tpu.sem_alloc : memref<!tpu.dma_semaphore, #tpu.memory_space<semaphore_mem>>
        %dma_start3A_297 = arith.constant 0 : i32
        %dma_start3A_298 = tpu.memref_slice %arg6[%add3A_296, %dma_start3A_297] : memref<20000x128xf32, #tpu.memory_space<hbm>> -> memref<40x128xf32, #tpu.memory_space<hbm>>
        %dma_start3A_299 = arith.constant 0 : i32
        %dma_start3A_300 = tpu.memref_slice %arg6[%add3A_296, %dma_start3A_299] : memref<20000x128xf32, #tpu.memory_space<hbm>> -> memref<40x128xf32, #tpu.memory_space<hbm>>
        tpu.enqueue_dma source(%arg13 : memref<40x128xf32, #tpu.memory_space<vmem>>) target(%dma_start3A_300 : memref<40x128xf32, #tpu.memory_space<hbm>>) target_semaphore(%run_scoped3A : memref<!tpu.dma_semaphore, #tpu.memory_space<semaphore_mem>>)
        %dma_wait3A_301 = arith.constant 0 : i32
        %dma_wait3A_302 = tpu.memref_slice %arg6[%add3A_296, %dma_wait3A_301] : memref<20000x128xf32, #tpu.memory_space<hbm>> -> memref<40x128xf32, #tpu.memory_space<hbm>>
        %dma_wait3A_303 = arith.constant 0 : i32
        %dma_wait3A_304 = tpu.memref_slice %arg6[%add3A_296, %dma_wait3A_303] : memref<20000x128xf32, #tpu.memory_space<hbm>> -> memref<40x128xf32, #tpu.memory_space<hbm>>
        tpu.wait_dma2 semaphore(%run_scoped3A : memref<!tpu.dma_semaphore, #tpu.memory_space<semaphore_mem>>) src(%arg13 : memref<40x128xf32, #tpu.memory_space<vmem>>) dst(%dma_wait3A_304 : memref<40x128xf32, #tpu.memory_space<hbm>>)
        tpu.yield
      }) : () -> ()
    } else {
    }
    %add3A_255 = arith.constant 176 : i32
    %add3A_256 = arith.addi %arg1, %add3A_255 : i32
    %lt3A_257 = arith.constant 250 : i32
    %lt3A_258 = arith.cmpi slt, %add3A_256, %lt3A_257 : i32
    %convert_element_type3A_259 = arith.extui %lt3A_258 : i1 to i32
    %cond3A_260 = arith.constant 0 : i32
    %cond3A_261 = arith.cmpi ne, %convert_element_type3A_259, %cond3A_260 : i32
    scf.if %cond3A_261 {
      %mul3A_290 = arith.constant 40 : i32
      %mul3A_291 = arith.muli %add3A_256, %mul3A_290 : i32
      "tpu.region"() ({
        %run_scoped3A = tpu.sem_alloc : memref<!tpu.dma_semaphore, #tpu.memory_space<semaphore_mem>>
        %dma_start3A_297 = arith.constant 0 : i32
        %dma_start3A_298 = tpu.memref_slice %arg20[%mul3A_291, %dma_start3A_297] : memref<10000x128xf32, #tpu.memory_space<vmem_shared>> -> memref<40x128xf32, #tpu.memory_space<vmem_shared>>
        %dma_start3A_299 = arith.constant 0 : i32
        %dma_start3A_300 = tpu.memref_slice %arg20[%mul3A_291, %dma_start3A_299] : memref<10000x128xf32, #tpu.memory_space<vmem_shared>> -> memref<40x128xf32, #tpu.memory_space<vmem_shared>>
        tpu.enqueue_dma source(%dma_start3A_300 : memref<40x128xf32, #tpu.memory_space<vmem_shared>>) target(%arg13 : memref<40x128xf32, #tpu.memory_space<vmem>>) target_semaphore(%run_scoped3A : memref<!tpu.dma_semaphore, #tpu.memory_space<semaphore_mem>>)
        %dma_wait3A_301 = arith.constant 0 : i32
        %dma_wait3A_302 = tpu.memref_slice %arg20[%mul3A_291, %dma_wait3A_301] : memref<10000x128xf32, #tpu.memory_space<vmem_shared>> -> memref<40x128xf32, #tpu.memory_space<vmem_shared>>
        %dma_wait3A_303 = arith.constant 0 : i32
        %dma_wait3A_304 = tpu.memref_slice %arg20[%mul3A_291, %dma_wait3A_303] : memref<10000x128xf32, #tpu.memory_space<vmem_shared>> -> memref<40x128xf32, #tpu.memory_space<vmem_shared>>
        tpu.wait_dma2 semaphore(%run_scoped3A : memref<!tpu.dma_semaphore, #tpu.memory_space<semaphore_mem>>) src(%dma_wait3A_304 : memref<40x128xf32, #tpu.memory_space<vmem_shared>>) dst(%arg13 : memref<40x128xf32, #tpu.memory_space<vmem>>)
        tpu.yield
      }) : () -> ()
      %mul3A_292 = arith.constant 10000 : i32
      %mul3A_293 = arith.muli %arg0, %mul3A_292 : i32
      %mul3A_294 = arith.constant 40 : i32
      %mul3A_295 = arith.muli %add3A_256, %mul3A_294 : i32
      %add3A_296 = arith.addi %mul3A_293, %mul3A_295 : i32
      "tpu.region"() ({
        %run_scoped3A = tpu.sem_alloc : memref<!tpu.dma_semaphore, #tpu.memory_space<semaphore_mem>>
        %dma_start3A_297 = arith.constant 0 : i32
        %dma_start3A_298 = tpu.memref_slice %arg6[%add3A_296, %dma_start3A_297] : memref<20000x128xf32, #tpu.memory_space<hbm>> -> memref<40x128xf32, #tpu.memory_space<hbm>>
        %dma_start3A_299 = arith.constant 0 : i32
        %dma_start3A_300 = tpu.memref_slice %arg6[%add3A_296, %dma_start3A_299] : memref<20000x128xf32, #tpu.memory_space<hbm>> -> memref<40x128xf32, #tpu.memory_space<hbm>>
        tpu.enqueue_dma source(%arg13 : memref<40x128xf32, #tpu.memory_space<vmem>>) target(%dma_start3A_300 : memref<40x128xf32, #tpu.memory_space<hbm>>) target_semaphore(%run_scoped3A : memref<!tpu.dma_semaphore, #tpu.memory_space<semaphore_mem>>)
        %dma_wait3A_301 = arith.constant 0 : i32
        %dma_wait3A_302 = tpu.memref_slice %arg6[%add3A_296, %dma_wait3A_301] : memref<20000x128xf32, #tpu.memory_space<hbm>> -> memref<40x128xf32, #tpu.memory_space<hbm>>
        %dma_wait3A_303 = arith.constant 0 : i32
        %dma_wait3A_304 = tpu.memref_slice %arg6[%add3A_296, %dma_wait3A_303] : memref<20000x128xf32, #tpu.memory_space<hbm>> -> memref<40x128xf32, #tpu.memory_space<hbm>>
        tpu.wait_dma2 semaphore(%run_scoped3A : memref<!tpu.dma_semaphore, #tpu.memory_space<semaphore_mem>>) src(%arg13 : memref<40x128xf32, #tpu.memory_space<vmem>>) dst(%dma_wait3A_304 : memref<40x128xf32, #tpu.memory_space<hbm>>)
        tpu.yield
      }) : () -> ()
    } else {
    }
    %add3A_262 = arith.constant 192 : i32
    %add3A_263 = arith.addi %arg1, %add3A_262 : i32
    %lt3A_264 = arith.constant 250 : i32
    %lt3A_265 = arith.cmpi slt, %add3A_263, %lt3A_264 : i32
    %convert_element_type3A_266 = arith.extui %lt3A_265 : i1 to i32
    %cond3A_267 = arith.constant 0 : i32
    %cond3A_268 = arith.cmpi ne, %convert_element_type3A_266, %cond3A_267 : i32
    scf.if %cond3A_268 {
      %mul3A_290 = arith.constant 40 : i32
      %mul3A_291 = arith.muli %add3A_263, %mul3A_290 : i32
      "tpu.region"() ({
        %run_scoped3A = tpu.sem_alloc : memref<!tpu.dma_semaphore, #tpu.memory_space<semaphore_mem>>
        %dma_start3A_297 = arith.constant 0 : i32
        %dma_start3A_298 = tpu.memref_slice %arg20[%mul3A_291, %dma_start3A_297] : memref<10000x128xf32, #tpu.memory_space<vmem_shared>> -> memref<40x128xf32, #tpu.memory_space<vmem_shared>>
        %dma_start3A_299 = arith.constant 0 : i32
        %dma_start3A_300 = tpu.memref_slice %arg20[%mul3A_291, %dma_start3A_299] : memref<10000x128xf32, #tpu.memory_space<vmem_shared>> -> memref<40x128xf32, #tpu.memory_space<vmem_shared>>
        tpu.enqueue_dma source(%dma_start3A_300 : memref<40x128xf32, #tpu.memory_space<vmem_shared>>) target(%arg13 : memref<40x128xf32, #tpu.memory_space<vmem>>) target_semaphore(%run_scoped3A : memref<!tpu.dma_semaphore, #tpu.memory_space<semaphore_mem>>)
        %dma_wait3A_301 = arith.constant 0 : i32
        %dma_wait3A_302 = tpu.memref_slice %arg20[%mul3A_291, %dma_wait3A_301] : memref<10000x128xf32, #tpu.memory_space<vmem_shared>> -> memref<40x128xf32, #tpu.memory_space<vmem_shared>>
        %dma_wait3A_303 = arith.constant 0 : i32
        %dma_wait3A_304 = tpu.memref_slice %arg20[%mul3A_291, %dma_wait3A_303] : memref<10000x128xf32, #tpu.memory_space<vmem_shared>> -> memref<40x128xf32, #tpu.memory_space<vmem_shared>>
        tpu.wait_dma2 semaphore(%run_scoped3A : memref<!tpu.dma_semaphore, #tpu.memory_space<semaphore_mem>>) src(%dma_wait3A_304 : memref<40x128xf32, #tpu.memory_space<vmem_shared>>) dst(%arg13 : memref<40x128xf32, #tpu.memory_space<vmem>>)
        tpu.yield
      }) : () -> ()
      %mul3A_292 = arith.constant 10000 : i32
      %mul3A_293 = arith.muli %arg0, %mul3A_292 : i32
      %mul3A_294 = arith.constant 40 : i32
      %mul3A_295 = arith.muli %add3A_263, %mul3A_294 : i32
      %add3A_296 = arith.addi %mul3A_293, %mul3A_295 : i32
      "tpu.region"() ({
        %run_scoped3A = tpu.sem_alloc : memref<!tpu.dma_semaphore, #tpu.memory_space<semaphore_mem>>
        %dma_start3A_297 = arith.constant 0 : i32
        %dma_start3A_298 = tpu.memref_slice %arg6[%add3A_296, %dma_start3A_297] : memref<20000x128xf32, #tpu.memory_space<hbm>> -> memref<40x128xf32, #tpu.memory_space<hbm>>
        %dma_start3A_299 = arith.constant 0 : i32
        %dma_start3A_300 = tpu.memref_slice %arg6[%add3A_296, %dma_start3A_299] : memref<20000x128xf32, #tpu.memory_space<hbm>> -> memref<40x128xf32, #tpu.memory_space<hbm>>
        tpu.enqueue_dma source(%arg13 : memref<40x128xf32, #tpu.memory_space<vmem>>) target(%dma_start3A_300 : memref<40x128xf32, #tpu.memory_space<hbm>>) target_semaphore(%run_scoped3A : memref<!tpu.dma_semaphore, #tpu.memory_space<semaphore_mem>>)
        %dma_wait3A_301 = arith.constant 0 : i32
        %dma_wait3A_302 = tpu.memref_slice %arg6[%add3A_296, %dma_wait3A_301] : memref<20000x128xf32, #tpu.memory_space<hbm>> -> memref<40x128xf32, #tpu.memory_space<hbm>>
        %dma_wait3A_303 = arith.constant 0 : i32
        %dma_wait3A_304 = tpu.memref_slice %arg6[%add3A_296, %dma_wait3A_303] : memref<20000x128xf32, #tpu.memory_space<hbm>> -> memref<40x128xf32, #tpu.memory_space<hbm>>
        tpu.wait_dma2 semaphore(%run_scoped3A : memref<!tpu.dma_semaphore, #tpu.memory_space<semaphore_mem>>) src(%arg13 : memref<40x128xf32, #tpu.memory_space<vmem>>) dst(%dma_wait3A_304 : memref<40x128xf32, #tpu.memory_space<hbm>>)
        tpu.yield
      }) : () -> ()
    } else {
    }
    %add3A_269 = arith.constant 208 : i32
    %add3A_270 = arith.addi %arg1, %add3A_269 : i32
    %lt3A_271 = arith.constant 250 : i32
    %lt3A_272 = arith.cmpi slt, %add3A_270, %lt3A_271 : i32
    %convert_element_type3A_273 = arith.extui %lt3A_272 : i1 to i32
    %cond3A_274 = arith.constant 0 : i32
    %cond3A_275 = arith.cmpi ne, %convert_element_type3A_273, %cond3A_274 : i32
    scf.if %cond3A_275 {
      %mul3A_290 = arith.constant 40 : i32
      %mul3A_291 = arith.muli %add3A_270, %mul3A_290 : i32
      "tpu.region"() ({
        %run_scoped3A = tpu.sem_alloc : memref<!tpu.dma_semaphore, #tpu.memory_space<semaphore_mem>>
        %dma_start3A_297 = arith.constant 0 : i32
        %dma_start3A_298 = tpu.memref_slice %arg20[%mul3A_291, %dma_start3A_297] : memref<10000x128xf32, #tpu.memory_space<vmem_shared>> -> memref<40x128xf32, #tpu.memory_space<vmem_shared>>
        %dma_start3A_299 = arith.constant 0 : i32
        %dma_start3A_300 = tpu.memref_slice %arg20[%mul3A_291, %dma_start3A_299] : memref<10000x128xf32, #tpu.memory_space<vmem_shared>> -> memref<40x128xf32, #tpu.memory_space<vmem_shared>>
        tpu.enqueue_dma source(%dma_start3A_300 : memref<40x128xf32, #tpu.memory_space<vmem_shared>>) target(%arg13 : memref<40x128xf32, #tpu.memory_space<vmem>>) target_semaphore(%run_scoped3A : memref<!tpu.dma_semaphore, #tpu.memory_space<semaphore_mem>>)
        %dma_wait3A_301 = arith.constant 0 : i32
        %dma_wait3A_302 = tpu.memref_slice %arg20[%mul3A_291, %dma_wait3A_301] : memref<10000x128xf32, #tpu.memory_space<vmem_shared>> -> memref<40x128xf32, #tpu.memory_space<vmem_shared>>
        %dma_wait3A_303 = arith.constant 0 : i32
        %dma_wait3A_304 = tpu.memref_slice %arg20[%mul3A_291, %dma_wait3A_303] : memref<10000x128xf32, #tpu.memory_space<vmem_shared>> -> memref<40x128xf32, #tpu.memory_space<vmem_shared>>
        tpu.wait_dma2 semaphore(%run_scoped3A : memref<!tpu.dma_semaphore, #tpu.memory_space<semaphore_mem>>) src(%dma_wait3A_304 : memref<40x128xf32, #tpu.memory_space<vmem_shared>>) dst(%arg13 : memref<40x128xf32, #tpu.memory_space<vmem>>)
        tpu.yield
      }) : () -> ()
      %mul3A_292 = arith.constant 10000 : i32
      %mul3A_293 = arith.muli %arg0, %mul3A_292 : i32
      %mul3A_294 = arith.constant 40 : i32
      %mul3A_295 = arith.muli %add3A_270, %mul3A_294 : i32
      %add3A_296 = arith.addi %mul3A_293, %mul3A_295 : i32
      "tpu.region"() ({
        %run_scoped3A = tpu.sem_alloc : memref<!tpu.dma_semaphore, #tpu.memory_space<semaphore_mem>>
        %dma_start3A_297 = arith.constant 0 : i32
        %dma_start3A_298 = tpu.memref_slice %arg6[%add3A_296, %dma_start3A_297] : memref<20000x128xf32, #tpu.memory_space<hbm>> -> memref<40x128xf32, #tpu.memory_space<hbm>>
        %dma_start3A_299 = arith.constant 0 : i32
        %dma_start3A_300 = tpu.memref_slice %arg6[%add3A_296, %dma_start3A_299] : memref<20000x128xf32, #tpu.memory_space<hbm>> -> memref<40x128xf32, #tpu.memory_space<hbm>>
        tpu.enqueue_dma source(%arg13 : memref<40x128xf32, #tpu.memory_space<vmem>>) target(%dma_start3A_300 : memref<40x128xf32, #tpu.memory_space<hbm>>) target_semaphore(%run_scoped3A : memref<!tpu.dma_semaphore, #tpu.memory_space<semaphore_mem>>)
        %dma_wait3A_301 = arith.constant 0 : i32
        %dma_wait3A_302 = tpu.memref_slice %arg6[%add3A_296, %dma_wait3A_301] : memref<20000x128xf32, #tpu.memory_space<hbm>> -> memref<40x128xf32, #tpu.memory_space<hbm>>
        %dma_wait3A_303 = arith.constant 0 : i32
        %dma_wait3A_304 = tpu.memref_slice %arg6[%add3A_296, %dma_wait3A_303] : memref<20000x128xf32, #tpu.memory_space<hbm>> -> memref<40x128xf32, #tpu.memory_space<hbm>>
        tpu.wait_dma2 semaphore(%run_scoped3A : memref<!tpu.dma_semaphore, #tpu.memory_space<semaphore_mem>>) src(%arg13 : memref<40x128xf32, #tpu.memory_space<vmem>>) dst(%dma_wait3A_304 : memref<40x128xf32, #tpu.memory_space<hbm>>)
        tpu.yield
      }) : () -> ()
    } else {
    }
    %add3A_276 = arith.constant 224 : i32
    %add3A_277 = arith.addi %arg1, %add3A_276 : i32
    %lt3A_278 = arith.constant 250 : i32
    %lt3A_279 = arith.cmpi slt, %add3A_277, %lt3A_278 : i32
    %convert_element_type3A_280 = arith.extui %lt3A_279 : i1 to i32
    %cond3A_281 = arith.constant 0 : i32
    %cond3A_282 = arith.cmpi ne, %convert_element_type3A_280, %cond3A_281 : i32
    scf.if %cond3A_282 {
      %mul3A_290 = arith.constant 40 : i32
      %mul3A_291 = arith.muli %add3A_277, %mul3A_290 : i32
      "tpu.region"() ({
        %run_scoped3A = tpu.sem_alloc : memref<!tpu.dma_semaphore, #tpu.memory_space<semaphore_mem>>
        %dma_start3A_297 = arith.constant 0 : i32
        %dma_start3A_298 = tpu.memref_slice %arg20[%mul3A_291, %dma_start3A_297] : memref<10000x128xf32, #tpu.memory_space<vmem_shared>> -> memref<40x128xf32, #tpu.memory_space<vmem_shared>>
        %dma_start3A_299 = arith.constant 0 : i32
        %dma_start3A_300 = tpu.memref_slice %arg20[%mul3A_291, %dma_start3A_299] : memref<10000x128xf32, #tpu.memory_space<vmem_shared>> -> memref<40x128xf32, #tpu.memory_space<vmem_shared>>
        tpu.enqueue_dma source(%dma_start3A_300 : memref<40x128xf32, #tpu.memory_space<vmem_shared>>) target(%arg13 : memref<40x128xf32, #tpu.memory_space<vmem>>) target_semaphore(%run_scoped3A : memref<!tpu.dma_semaphore, #tpu.memory_space<semaphore_mem>>)
        %dma_wait3A_301 = arith.constant 0 : i32
        %dma_wait3A_302 = tpu.memref_slice %arg20[%mul3A_291, %dma_wait3A_301] : memref<10000x128xf32, #tpu.memory_space<vmem_shared>> -> memref<40x128xf32, #tpu.memory_space<vmem_shared>>
        %dma_wait3A_303 = arith.constant 0 : i32
        %dma_wait3A_304 = tpu.memref_slice %arg20[%mul3A_291, %dma_wait3A_303] : memref<10000x128xf32, #tpu.memory_space<vmem_shared>> -> memref<40x128xf32, #tpu.memory_space<vmem_shared>>
        tpu.wait_dma2 semaphore(%run_scoped3A : memref<!tpu.dma_semaphore, #tpu.memory_space<semaphore_mem>>) src(%dma_wait3A_304 : memref<40x128xf32, #tpu.memory_space<vmem_shared>>) dst(%arg13 : memref<40x128xf32, #tpu.memory_space<vmem>>)
        tpu.yield
      }) : () -> ()
      %mul3A_292 = arith.constant 10000 : i32
      %mul3A_293 = arith.muli %arg0, %mul3A_292 : i32
      %mul3A_294 = arith.constant 40 : i32
      %mul3A_295 = arith.muli %add3A_277, %mul3A_294 : i32
      %add3A_296 = arith.addi %mul3A_293, %mul3A_295 : i32
      "tpu.region"() ({
        %run_scoped3A = tpu.sem_alloc : memref<!tpu.dma_semaphore, #tpu.memory_space<semaphore_mem>>
        %dma_start3A_297 = arith.constant 0 : i32
        %dma_start3A_298 = tpu.memref_slice %arg6[%add3A_296, %dma_start3A_297] : memref<20000x128xf32, #tpu.memory_space<hbm>> -> memref<40x128xf32, #tpu.memory_space<hbm>>
        %dma_start3A_299 = arith.constant 0 : i32
        %dma_start3A_300 = tpu.memref_slice %arg6[%add3A_296, %dma_start3A_299] : memref<20000x128xf32, #tpu.memory_space<hbm>> -> memref<40x128xf32, #tpu.memory_space<hbm>>
        tpu.enqueue_dma source(%arg13 : memref<40x128xf32, #tpu.memory_space<vmem>>) target(%dma_start3A_300 : memref<40x128xf32, #tpu.memory_space<hbm>>) target_semaphore(%run_scoped3A : memref<!tpu.dma_semaphore, #tpu.memory_space<semaphore_mem>>)
        %dma_wait3A_301 = arith.constant 0 : i32
        %dma_wait3A_302 = tpu.memref_slice %arg6[%add3A_296, %dma_wait3A_301] : memref<20000x128xf32, #tpu.memory_space<hbm>> -> memref<40x128xf32, #tpu.memory_space<hbm>>
        %dma_wait3A_303 = arith.constant 0 : i32
        %dma_wait3A_304 = tpu.memref_slice %arg6[%add3A_296, %dma_wait3A_303] : memref<20000x128xf32, #tpu.memory_space<hbm>> -> memref<40x128xf32, #tpu.memory_space<hbm>>
        tpu.wait_dma2 semaphore(%run_scoped3A : memref<!tpu.dma_semaphore, #tpu.memory_space<semaphore_mem>>) src(%arg13 : memref<40x128xf32, #tpu.memory_space<vmem>>) dst(%dma_wait3A_304 : memref<40x128xf32, #tpu.memory_space<hbm>>)
        tpu.yield
      }) : () -> ()
    } else {
    }
    %add3A_283 = arith.constant 240 : i32
    %add3A_284 = arith.addi %arg1, %add3A_283 : i32
    %lt3A_285 = arith.constant 250 : i32
    %lt3A_286 = arith.cmpi slt, %add3A_284, %lt3A_285 : i32
    %convert_element_type3A_287 = arith.extui %lt3A_286 : i1 to i32
    %cond3A_288 = arith.constant 0 : i32
    %cond3A_289 = arith.cmpi ne, %convert_element_type3A_287, %cond3A_288 : i32
    scf.if %cond3A_289 {
      %mul3A_290 = arith.constant 40 : i32
      %mul3A_291 = arith.muli %add3A_284, %mul3A_290 : i32
      "tpu.region"() ({
        %run_scoped3A = tpu.sem_alloc : memref<!tpu.dma_semaphore, #tpu.memory_space<semaphore_mem>>
        %dma_start3A_297 = arith.constant 0 : i32
        %dma_start3A_298 = tpu.memref_slice %arg20[%mul3A_291, %dma_start3A_297] : memref<10000x128xf32, #tpu.memory_space<vmem_shared>> -> memref<40x128xf32, #tpu.memory_space<vmem_shared>>
        %dma_start3A_299 = arith.constant 0 : i32
        %dma_start3A_300 = tpu.memref_slice %arg20[%mul3A_291, %dma_start3A_299] : memref<10000x128xf32, #tpu.memory_space<vmem_shared>> -> memref<40x128xf32, #tpu.memory_space<vmem_shared>>
        tpu.enqueue_dma source(%dma_start3A_300 : memref<40x128xf32, #tpu.memory_space<vmem_shared>>) target(%arg13 : memref<40x128xf32, #tpu.memory_space<vmem>>) target_semaphore(%run_scoped3A : memref<!tpu.dma_semaphore, #tpu.memory_space<semaphore_mem>>)
        %dma_wait3A_301 = arith.constant 0 : i32
        %dma_wait3A_302 = tpu.memref_slice %arg20[%mul3A_291, %dma_wait3A_301] : memref<10000x128xf32, #tpu.memory_space<vmem_shared>> -> memref<40x128xf32, #tpu.memory_space<vmem_shared>>
        %dma_wait3A_303 = arith.constant 0 : i32
        %dma_wait3A_304 = tpu.memref_slice %arg20[%mul3A_291, %dma_wait3A_303] : memref<10000x128xf32, #tpu.memory_space<vmem_shared>> -> memref<40x128xf32, #tpu.memory_space<vmem_shared>>
        tpu.wait_dma2 semaphore(%run_scoped3A : memref<!tpu.dma_semaphore, #tpu.memory_space<semaphore_mem>>) src(%dma_wait3A_304 : memref<40x128xf32, #tpu.memory_space<vmem_shared>>) dst(%arg13 : memref<40x128xf32, #tpu.memory_space<vmem>>)
        tpu.yield
      }) : () -> ()
      %mul3A_292 = arith.constant 10000 : i32
      %mul3A_293 = arith.muli %arg0, %mul3A_292 : i32
      %mul3A_294 = arith.constant 40 : i32
      %mul3A_295 = arith.muli %add3A_284, %mul3A_294 : i32
      %add3A_296 = arith.addi %mul3A_293, %mul3A_295 : i32
      "tpu.region"() ({
        %run_scoped3A = tpu.sem_alloc : memref<!tpu.dma_semaphore, #tpu.memory_space<semaphore_mem>>
        %dma_start3A_297 = arith.constant 0 : i32
        %dma_start3A_298 = tpu.memref_slice %arg6[%add3A_296, %dma_start3A_297] : memref<20000x128xf32, #tpu.memory_space<hbm>> -> memref<40x128xf32, #tpu.memory_space<hbm>>
        %dma_start3A_299 = arith.constant 0 : i32
        %dma_start3A_300 = tpu.memref_slice %arg6[%add3A_296, %dma_start3A_299] : memref<20000x128xf32, #tpu.memory_space<hbm>> -> memref<40x128xf32, #tpu.memory_space<hbm>>
        tpu.enqueue_dma source(%arg13 : memref<40x128xf32, #tpu.memory_space<vmem>>) target(%dma_start3A_300 : memref<40x128xf32, #tpu.memory_space<hbm>>) target_semaphore(%run_scoped3A : memref<!tpu.dma_semaphore, #tpu.memory_space<semaphore_mem>>)
        %dma_wait3A_301 = arith.constant 0 : i32
        %dma_wait3A_302 = tpu.memref_slice %arg6[%add3A_296, %dma_wait3A_301] : memref<20000x128xf32, #tpu.memory_space<hbm>> -> memref<40x128xf32, #tpu.memory_space<hbm>>
        %dma_wait3A_303 = arith.constant 0 : i32
        %dma_wait3A_304 = tpu.memref_slice %arg6[%add3A_296, %dma_wait3A_303] : memref<20000x128xf32, #tpu.memory_space<hbm>> -> memref<40x128xf32, #tpu.memory_space<hbm>>
        tpu.wait_dma2 semaphore(%run_scoped3A : memref<!tpu.dma_semaphore, #tpu.memory_space<semaphore_mem>>) src(%arg13 : memref<40x128xf32, #tpu.memory_space<vmem>>) dst(%dma_wait3A_304 : memref<40x128xf32, #tpu.memory_space<hbm>>)
        tpu.yield
      }) : () -> ()
    } else {
    }
    "tpu.region"() ({
      %run_scoped3A = tpu.sem_alloc : memref<!tpu.dma_semaphore, #tpu.memory_space<semaphore_mem>>
      %dma_start3A_290 = arith.constant 0 : i32
      %dma_start3A_291 = arith.constant 0 : i32
      %dma_start3A_292 = tpu.memref_slice %arg7[%add3A, %dma_start3A_290, %dma_start3A_291] : memref<32x80x128xf32, #tpu.memory_space<hbm>> -> memref<1x80x128xf32, #tpu.memory_space<hbm>>
      %dma_start3A_293 = tpu.memref_squeeze %dma_start3A_292 : memref<1x80x128xf32, #tpu.memory_space<hbm>> -> memref<80x128xf32, #tpu.memory_space<hbm>>
      %dma_start3A_294 = arith.constant 0 : i32
      %dma_start3A_295 = arith.constant 0 : i32
      %dma_start3A_296 = tpu.memref_slice %arg7[%add3A, %dma_start3A_294, %dma_start3A_295] : memref<32x80x128xf32, #tpu.memory_space<hbm>> -> memref<1x80x128xf32, #tpu.memory_space<hbm>>
      %dma_start3A_297 = tpu.memref_squeeze %dma_start3A_296 : memref<1x80x128xf32, #tpu.memory_space<hbm>> -> memref<80x128xf32, #tpu.memory_space<hbm>>
      tpu.enqueue_dma source(%arg19 : memref<80x128xf32, #tpu.memory_space<vmem>>) target(%dma_start3A_297 : memref<80x128xf32, #tpu.memory_space<hbm>>) target_semaphore(%run_scoped3A : memref<!tpu.dma_semaphore, #tpu.memory_space<semaphore_mem>>)
      %dma_wait3A_298 = arith.constant 0 : i32
      %dma_wait3A_299 = arith.constant 0 : i32
      %dma_wait3A_300 = tpu.memref_slice %arg7[%add3A, %dma_wait3A_298, %dma_wait3A_299] : memref<32x80x128xf32, #tpu.memory_space<hbm>> -> memref<1x80x128xf32, #tpu.memory_space<hbm>>
      %dma_wait3A_301 = tpu.memref_squeeze %dma_wait3A_300 : memref<1x80x128xf32, #tpu.memory_space<hbm>> -> memref<80x128xf32, #tpu.memory_space<hbm>>
      %dma_wait3A_302 = arith.constant 0 : i32
      %dma_wait3A_303 = arith.constant 0 : i32
      %dma_wait3A_304 = tpu.memref_slice %arg7[%add3A, %dma_wait3A_302, %dma_wait3A_303] : memref<32x80x128xf32, #tpu.memory_space<hbm>> -> memref<1x80x128xf32, #tpu.memory_space<hbm>>
      %dma_wait3A_305 = tpu.memref_squeeze %dma_wait3A_304 : memref<1x80x128xf32, #tpu.memory_space<hbm>> -> memref<80x128xf32, #tpu.memory_space<hbm>>
      tpu.wait_dma2 semaphore(%run_scoped3A : memref<!tpu.dma_semaphore, #tpu.memory_space<semaphore_mem>>) src(%arg19 : memref<80x128xf32, #tpu.memory_space<vmem>>) dst(%dma_wait3A_305 : memref<80x128xf32, #tpu.memory_space<hbm>>)
      tpu.yield
    }) : () -> ()
    return
  }
}

module attributes {stable_mosaic.version = 14 : i64} {
  func.func @_tail_body(%arg0: memref<20000x128xf32, #tpu.memory_space<vmem>>, %arg1: memref<10000x128xf32, #tpu.memory_space<vmem>>, %arg2: memref<32x80x128xf32, #tpu.memory_space<vmem>>, %arg3: memref<10000x129xf32, #tpu.memory_space<vmem>>) attributes {dimension_semantics = [], scalar_prefetch = 0 : i64, scratch_operands = 0 : i64, tpu.core_type = #tpu.core_type<tc>} {
    %get3A = arith.constant 0 : index
    %get3A_0 = arith.constant 0 : index
    %get3A_1 = vector.load %arg1[%get3A, %get3A_0] : memref<10000x128xf32, #tpu.memory_space<vmem>>, vector<10000x128xf32>
    %get3A_2 = arith.constant 0 : index
    %get3A_3 = arith.constant 0 : index
    %get3A_4 = vector.load %arg0[%get3A_2, %get3A_3] : memref<20000x128xf32, #tpu.memory_space<vmem>>, vector<10000x128xf32>
    %get3A_5 = arith.constant 10000 : index
    %get3A_6 = arith.constant 0 : index
    %get3A_7 = vector.load %arg0[%get3A_5, %get3A_6] : memref<20000x128xf32, #tpu.memory_space<vmem>>, vector<10000x128xf32>
    %add3A = arith.addf %get3A_4, %get3A_7 : vector<10000x128xf32>
    %add3A_8 = arith.addf %add3A, %get3A_1 : vector<10000x128xf32>
    %get3A_9 = arith.constant 0 : index
    %get3A_10 = arith.constant 0 : index
    %get3A_11 = arith.constant 0 : index
    %get3A_12 = vector.load %arg2[%get3A_9, %get3A_10, %get3A_11] : memref<32x80x128xf32, #tpu.memory_space<vmem>>, vector<32x80x128xf32>
    %reduce_sum3A = arith.constant dense<0.000000e+00> : vector<80x128xf32>
    %reduce_sum3A_13 = vector.multi_reduction <add>, %get3A_12, %reduce_sum3A [0] : vector<32x80x128xf32> to vector<80x128xf32>
    %reshape3A = vector.shape_cast %reduce_sum3A_13 : vector<80x128xf32> to vector<10240xf32>
    %slice3A = vector.extract_strided_slice %reshape3A {offsets = [0], sizes = [10000], strides = [1]} : vector<10240xf32> to vector<10000xf32>
    %broadcast_in_dim3A = vector.shape_cast %slice3A : vector<10000xf32> to vector<10000x1xf32>
    %add3A_14 = arith.constant 1.000000e+00 : f32
    %add3A_15 = vector.broadcast %add3A_14 : f32 to vector<10000x1xf32>
    %add3A_16 = arith.addf %broadcast_in_dim3A, %add3A_15 : vector<10000x1xf32>
    %max3A = arith.constant 1.000000e+00 : f32
    %max3A_17 = vector.broadcast %max3A : f32 to vector<10000x1xf32>
    %max3A_18 = arith.maximumf %add3A_16, %max3A_17 : vector<10000x1xf32>
    %div3A = vector.broadcast %max3A_18 : vector<10000x1xf32> to vector<10000x128xf32>
    %div3A_19 = arith.divf %add3A_8, %div3A : vector<10000x128xf32>
    %max3A_20 = arith.constant 0.000000e+00 : f32
    %max3A_21 = vector.broadcast %max3A_20 : f32 to vector<10000x128xf32>
    %max3A_22 = arith.maximumf %div3A_19, %max3A_21 : vector<10000x128xf32>
    %mul3A = arith.mulf %max3A_22, %max3A_22 : vector<10000x128xf32>
    %reduce_sum3A_23 = arith.constant dense<0.000000e+00> : vector<10000xf32>
    %reduce_sum3A_24 = vector.multi_reduction <add>, %mul3A, %reduce_sum3A_23 [1] : vector<10000x128xf32> to vector<10000xf32>
    %broadcast_in_dim3A_25 = vector.shape_cast %reduce_sum3A_24 : vector<10000xf32> to vector<10000x1xf32>
    %sqrt3A = math.sqrt %broadcast_in_dim3A_25 : vector<10000x1xf32>
    %max3A_26 = arith.constant 1.000000e-07 : f32
    %max3A_27 = vector.broadcast %max3A_26 : f32 to vector<10000x1xf32>
    %max3A_28 = arith.maximumf %sqrt3A, %max3A_27 : vector<10000x1xf32>
    %exp3A = math.exp %sqrt3A : vector<10000x1xf32>
    %div3A_29 = arith.constant 1.000000e+00 : f32
    %div3A_30 = vector.broadcast %div3A_29 : f32 to vector<10000x1xf32>
    %div3A_31 = arith.divf %div3A_30, %exp3A : vector<10000x1xf32>
    %sub3A = arith.subf %exp3A, %div3A_31 : vector<10000x1xf32>
    %mul3A_32 = arith.constant 5.000000e-01 : f32
    %mul3A_33 = vector.broadcast %mul3A_32 : f32 to vector<10000x1xf32>
    %mul3A_34 = arith.mulf %mul3A_33, %sub3A : vector<10000x1xf32>
    %gt3A = arith.constant 1.000000e-07 : f32
    %gt3A_35 = vector.broadcast %gt3A : f32 to vector<10000x1xf32>
    %gt3A_36 = arith.cmpf ogt, %sqrt3A, %gt3A_35 : vector<10000x1xf32>
    %div3A_37 = arith.divf %mul3A_34, %max3A_28 : vector<10000x1xf32>
    %jit3A = arith.constant 1.000000e+00 : f32
    %broadcast_in_dim3A_38 = vector.broadcast %jit3A : f32 to vector<10000x1xf32>
    %select_n3A = arith.select %gt3A_36, %div3A_37, %broadcast_in_dim3A_38 : vector<10000x1xi1>, vector<10000x1xf32>
    %mul3A_39 = vector.broadcast %select_n3A : vector<10000x1xf32> to vector<10000x128xf32>
    %mul3A_40 = arith.mulf %mul3A_39, %max3A_22 : vector<10000x128xf32>
    %mul3A_41 = arith.mulf %mul3A_40, %mul3A_40 : vector<10000x128xf32>
    %reduce_sum3A_42 = arith.constant dense<0.000000e+00> : vector<10000xf32>
    %reduce_sum3A_43 = vector.multi_reduction <add>, %mul3A_41, %reduce_sum3A_42 [1] : vector<10000x128xf32> to vector<10000xf32>
    %broadcast_in_dim3A_44 = vector.shape_cast %reduce_sum3A_43 : vector<10000xf32> to vector<10000x1xf32>
    %add3A_45 = arith.constant 1.000000e+00 : f32
    %add3A_46 = vector.broadcast %add3A_45 : f32 to vector<10000x1xf32>
    %add3A_47 = arith.addf %add3A_46, %broadcast_in_dim3A_44 : vector<10000x1xf32>
    %sqrt3A_48 = math.sqrt %add3A_47 : vector<10000x1xf32>
    %concatenate3A = tpu.concatenate %sqrt3A_48, %mul3A_40 in 1 : vector<10000x1xf32>, vector<10000x128xf32> -> vector<10000x129xf32>
    %swap3A = arith.constant 0 : index
    %swap3A_49 = arith.constant 0 : index
    %swap3A_50 = vector.load %arg3[%swap3A, %swap3A_49] : memref<10000x129xf32, #tpu.memory_space<vmem>>, vector<10000x129xf32>
    tpu.vector_store %arg3[%swap3A, %swap3A_49], %concatenate3A {strides = array<i32>} : memref<10000x129xf32, #tpu.memory_space<vmem>>, vector<10000x129xf32>,
    return
  }
}

module attributes {stable_mosaic.version = 14 : i64} {
  func.func @_transform_body(%arg0: i32, %arg1: memref<1000x129xf32, #tpu.memory_space<vmem>>, %arg2: memref<128x128xf32, #tpu.memory_space<vmem>>, %arg3: memref<1x128xf32, #tpu.memory_space<vmem>>, %arg4: memref<1000x128xf32, #tpu.memory_space<vmem>>) attributes {dimension_semantics = [#tpu.dimension_semantics<arbitrary>], iteration_bounds = array<i64: 10>, scalar_prefetch = 0 : i64, scratch_operands = 0 : i64, tpu.core_type = #tpu.core_type<tc>, window_params = [{transform_indices = @transform_0, window_bounds = array<i64: 1000, 129>}, {pipeline_mode = #tpu.pipeline_mode<synchronous>, transform_indices = @transform_1, window_bounds = array<i64: 128, 128>}, {pipeline_mode = #tpu.pipeline_mode<synchronous>, transform_indices = @transform_2, window_bounds = array<i64: 1, 128>}, {transform_indices = @transform_3, window_bounds = array<i64: 1000, 128>}]} {
    %get3A = arith.constant 0 : index
    %get3A_0 = arith.constant 1 : index
    %get3A_1 = vector.load %arg1[%get3A, %get3A_0] : memref<1000x129xf32, #tpu.memory_space<vmem>>, vector<1000x128xf32>
    %mul3A = arith.mulf %get3A_1, %get3A_1 : vector<1000x128xf32>
    %reduce_sum3A = arith.constant dense<0.000000e+00> : vector<1000xf32>
    %reduce_sum3A_2 = vector.multi_reduction <add>, %mul3A, %reduce_sum3A [1] : vector<1000x128xf32> to vector<1000xf32>
    %broadcast_in_dim3A = vector.shape_cast %reduce_sum3A_2 : vector<1000xf32> to vector<1000x1xf32>
    %add3A = arith.constant 1.000000e+00 : f32
    %add3A_3 = vector.broadcast %add3A : f32 to vector<1000x1xf32>
    %add3A_4 = arith.addf %add3A_3, %broadcast_in_dim3A : vector<1000x1xf32>
    %sqrt3A = math.sqrt %add3A_4 : vector<1000x1xf32>
    %max3A = arith.constant 1.00000012 : f32
    %max3A_5 = vector.broadcast %max3A : f32 to vector<1000x1xf32>
    %max3A_6 = arith.maximumf %sqrt3A, %max3A_5 : vector<1000x1xf32>
    %sub3A = arith.constant 1.000000e+00 : f32
    %sub3A_7 = vector.broadcast %sub3A : f32 to vector<1000x1xf32>
    %sub3A_8 = arith.subf %max3A_6, %sub3A_7 : vector<1000x1xf32>
    %add3A_9 = arith.constant 1.000000e+00 : f32
    %add3A_10 = vector.broadcast %add3A_9 : f32 to vector<1000x1xf32>
    %add3A_11 = arith.addf %max3A_6, %add3A_10 : vector<1000x1xf32>
    %mul3A_12 = arith.mulf %sub3A_8, %add3A_11 : vector<1000x1xf32>
    %sqrt3A_13 = math.sqrt %mul3A_12 : vector<1000x1xf32>
    %add3A_14 = arith.addf %max3A_6, %sqrt3A_13 : vector<1000x1xf32>
    %log3A = math.log %add3A_14 : vector<1000x1xf32>
    %sqrt3A_15 = math.sqrt %broadcast_in_dim3A : vector<1000x1xf32>
    %mul3A_16 = vector.broadcast %log3A : vector<1000x1xf32> to vector<1000x128xf32>
    %mul3A_17 = arith.mulf %mul3A_16, %get3A_1 : vector<1000x128xf32>
    %max3A_18 = arith.constant 1.000000e-07 : f32
    %max3A_19 = vector.broadcast %max3A_18 : f32 to vector<1000x1xf32>
    %max3A_20 = arith.maximumf %sqrt3A_15, %max3A_19 : vector<1000x1xf32>
    %div3A = vector.broadcast %max3A_20 : vector<1000x1xf32> to vector<1000x128xf32>
    %div3A_21 = arith.divf %mul3A_17, %div3A : vector<1000x128xf32>
    %get3A_22 = arith.constant 0 : index
    %get3A_23 = arith.constant 0 : index
    %get3A_24 = vector.load %arg2[%get3A_22, %get3A_23] : memref<128x128xf32, #tpu.memory_space<vmem>>, vector<128x128xf32>
    %dot_general3A = arith.constant dense<0.000000e+00> : vector<1000x128xf32>
    %dot_general3A_25 = tpu.matmul %div3A_21, %get3A_24, %dot_general3A {dimension_numbers = #tpu.dot_dimension_numbers<[1], [1], [0], [0], [0, 0, 1, 0], [], []>, transpose_lhs_hint = false} : vector<1000x128xf32>, vector<128x128xf32>, vector<1000x128xf32> -> vector<1000x128xf32>
    %get3A_26 = arith.constant 0 : index
    %get3A_27 = arith.constant 0 : index
    %get3A_28 = vector.load %arg3[%get3A_26, %get3A_27] : memref<1x128xf32, #tpu.memory_space<vmem>>, vector<1x128xf32>
    %add3A_29 = vector.broadcast %get3A_28 : vector<1x128xf32> to vector<1000x128xf32>
    %add3A_30 = arith.addf %dot_general3A_25, %add3A_29 : vector<1000x128xf32>
    %swap3A = arith.constant 0 : index
    %swap3A_31 = arith.constant 0 : index
    %swap3A_32 = vector.load %arg4[%swap3A, %swap3A_31] : memref<1000x128xf32, #tpu.memory_space<vmem>>, vector<1000x128xf32>
    tpu.vector_store %arg4[%swap3A, %swap3A_31], %add3A_30 {strides = array<i32>} : memref<1000x128xf32, #tpu.memory_space<vmem>>, vector<1000x128xf32>,
    return
  }
  func.func @transform_0(%arg0: i32) -> (i32, i32) {
    %c0_i32 = arith.constant 0 : i32
    %c0_i32_0 = arith.constant 0 : i32
    return %arg0, %c0_i32 : i32, i32
  }
  func.func @transform_1(%arg0: i32) -> (i32, i32) {
    %c0_i32 = arith.constant 0 : i32
    %c0_i32_0 = arith.constant 0 : i32
    %c0_i32_1 = arith.constant 0 : i32
    return %c0_i32, %c0_i32_0 : i32, i32
  }
  func.func @transform_2(%arg0: i32) -> (i32, i32) {
    %c0_i32 = arith.constant 0 : i32
    %c0_i32_0 = arith.constant 0 : i32
    %c0_i32_1 = arith.constant 0 : i32
    return %c0_i32, %c0_i32_0 : i32, i32
  }
  func.func @transform_3(%arg0: i32) -> (i32, i32) {
    %c0_i32 = arith.constant 0 : i32
    %c0_i32_0 = arith.constant 0 : i32
    return %arg0, %c0_i32 : i32, i32
  }
}

</mosaic_0001>

<sc_bundles>
// kernel: kernel.5.cloned.1.call-start
scs
__scs_entry_jumppad:
0x0: {  	(pc) =	sbr.rel $0x88, $3  }
0x1: {  	(tag) =	ssettag $0x0;
	lr =	simm.s32 $0x1  }
0x2: {  	[smem:$0x3F9D] =	sst lr;
	_ =	strace $0xD0000000  }
0x3: {  	_ = 	snop  }
0x4: {  	_ = 	snop  }
0x5: {  	_ = 	snop  }
0x6: {  	_ = 	snop  }
0x7: {  	_ = 	snop  }
__scs_overlays_trampoline_lowered:
0x8: {  	[smem:$0x3FAC] =	sst s0  }
0x9: {  	[smem:$0x3FAD] =	sst s1  }
0xa: {  	[smem:$0x3FAE] =	sst s2  }
0xb: {  	[smem:$0x3FAF] =	sst s3  }
0xc: {  	[smem:$0x3FB0] =	sst s4  }
0xd: {  	[smem:$0x3FB1] =	sst s5  }
0xe: {  	[smem:$0x3FB2] =	sst s6  }
0xf: {  	[smem:$0x3FB3] =	sst s7  }
0x10: {  	[smem:$0x3FB4] =	sst s8  }
0x11: {  	[smem:$0x3FB5] =	sst s9;
	s0 =	simm.s32 @!p0 $0x0  }
0x12: {  	s1 =	sld [smem:$0x3F9B];
	s0 =	simm.s32 @p0 $0x1  }
0x13: {  	[smem:$0x3FB6] =	sst s0;
	s0 =	simm.s32 @!p1 $0x0  }
0x14: {  	s2 =	sld [smem:$0x3F9A];
	s0 =	simm.s32 @p1 $0x1  }
0x15: {  	[smem:$0x3FB7] =	sst s0;
	s0 =	simm.s32 @!p2 $0x0  }
0x16: {  	s3 =	sld [smem:$0x3FDB];
	s0 =	simm.s32 @p2 $0x1  }
0x17: {  	s4 =	simm.s32 $0x1BF5;
	[smem:$0x3FB9] =	sst s0  }
0x18: {  	s0 =	sld [smem:$0x3F9C];
	_ =	swait.ge [sflag:s4], $0x0  }
0x19: {  	s7 =	sld [smem:$0x3F9D]  }
0x1a: {  	s8 =	sadd.s32 $0xFFFFE003, lr  }
0x1b: {  	s9 =	sadd.s32 $0xFFFFFEF7, lr;
	s5 =	simm.s32 $0xFFFFFFFF;
	p2 =	slt.u32 s8, $0xFFFFF086  }
0x1c: {  	p1 =	slt.u32 s9, $0xF7A;
	s5 =	simm.s32 @!p2 $0x0  }
0x1d: {  	s5 =	simm.s32 @p1 $0x1;
	p0 =	seq.s32 s7, s2  }
0x1e: {  	s7 =	smul.u32 @!p0 $0xF7A, s2;
	p2 =	seq.s32 @!p0 s5, $0x0  }
0x1f: {  	s9 =	smul.u32 $0xF7A, s1;
	s8 =	simm.s32 @!p0 $0x1BF5;
	p2 =	por !p2, p0  }
0x20: {  	[sflag:s8] =	ssyncset.s32 @!p0 $0xFFFFF086;
	s6 =	sadd.s32 @!p0 s3, s7;
	s7 =	simm.s32 @!p0 $0x108  }
0x21: {  	s3 =	sadd.s32 s3, s9;
	s6 =	sadd.s32 @!p0 $0x88, s6;
	s7 =	simm.s32 @p2 $0x1082  }
0x22: {  	[simem:s7], [sflag:s8] =	dma.local @!p0 [hbm:s6], $0xF7A  }
0x23: {  	s9 =	sor.u32 $0xD0000000, s2;
	s6 =	simm.s32 $0x108;
	_ =	swait.ge @!p0 [sflag:s8], $0x0  }
0x24: {  	s3 =	sadd.s32 $0x88, s3;
	s6 =	simm.s32 @!p1 $0x1082;
	[sflag:s4] =	ssyncset.s32 $0xFFFFF086  }
0x25: {  	[simem:s6], [sflag:s4] =	dma.local [hbm:s3], $0xF7A  }
0x26: {  	[smem:$0x3F9D] =	sst s1;
	(tag) =	ssettag s2;
	_ =	strace s9  }
0x27: {  	s1 =	sld [smem:$0x3FAD]  }
0x28: {  	s2 =	sld [smem:$0x3FAE]  }
0x29: {  	s4 =	sld [smem:$0x3FB0]  }
0x2a: {  	p0 =	seq.s32 s5, $0x0;
	s5 =	sld [smem:$0x3FB1]  }
0x2b: {  	s6 =	sld [smem:$0x3FB2]  }
0x2c: {  	s7 =	sld [smem:$0x3FB3]  }
0x2d: {  	s3 =	simm.s32 $0x108;
	s8 =	sld [smem:$0x3FB4]  }
0x2e: {  	s3 =	simm.s32 @!p0 $0x1082;
	s9 =	sld [smem:$0x3FB5]  }
0x2f: {  	lr =	sadd.s32 s0, s3;
	s0 =	sld [smem:$0x3FAC]  }
0x30: {  	s3 =	sld [smem:$0x3FAF]  }
0x31: {  	[smem:$0x3FB8] =	sst s10  }
0x32: {  	s10 =	sld [smem:$0x3FB6];
	_ =	sdelay $0x3  }
0x33: {  	p0 =	seq.s32 s10, $0x1;
	s10 =	sld [smem:$0x3FB8];
	_ =	sdelay $0x3  }
0x34: {  	[smem:$0x3FB8] =	sst s10  }
0x35: {  	s10 =	sld [smem:$0x3FB7];
	_ =	sdelay $0x3  }
0x36: {  	p1 =	seq.s32 s10, $0x1;
	s10 =	sld [smem:$0x3FB8];
	_ =	sdelay $0x3  }
0x37: {  	[smem:$0x3FB8] =	sst s10  }
0x38: {  	s10 =	sld [smem:$0x3FB9]  }
0x39: {  	_ = 	snop;
	(pc) =	sbr.ind lr, $3  }
0x3a: {  	_ = 	snop  }
0x3b: {  	_ = 	snop  }
0x3c: {  	p2 =	seq.s32 s10, $0x1;
	s10 =	sld [smem:$0x3FB8]  }
0x3d: {  	_ =	shalt  }
0x3e: {  	_ =	shalt  }
0x3f: {  	_ =	shalt  }
0x40: {  	_ =	shalt  }
0x41: {  	_ =	shalt  }
0x42: {  	_ =	shalt  }
0x43: {  	_ =	shalt  }
0x44: {  	_ =	shalt  }
0x45: {  	_ =	shalt  }
0x46: {  	_ =	shalt  }
0x47: {  	_ =	shalt  }
0x48: {  	_ =	shalt  }
0x49: {  	_ =	shalt  }
0x4a: {  	_ =	shalt  }
0x4b: {  	_ =	shalt  }
0x4c: {  	_ =	shalt  }
0x4d: {  	_ =	shalt  }
0x4e: {  	_ =	shalt  }
0x4f: {  	_ =	shalt  }
0x50: {  	_ =	shalt  }
0x51: {  	_ =	shalt  }
0x52: {  	_ =	shalt  }
0x53: {  	_ =	shalt  }
0x54: {  	_ =	shalt  }
0x55: {  	_ =	shalt  }
0x56: {  	_ =	shalt  }
0x57: {  	_ =	shalt  }
0x58: {  	_ =	shalt  }
0x59: {  	_ =	shalt  }
0x5a: {  	_ =	shalt  }
0x5b: {  	_ =	shalt  }
0x5c: {  	_ =	shalt  }
0x5d: {  	_ =	shalt  }
0x5e: {  	_ =	shalt  }
0x5f: {  	_ =	shalt  }
0x60: {  	_ =	shalt  }
0x61: {  	_ =	shalt  }
0x62: {  	_ =	shalt  }
0x63: {  	_ =	shalt  }
0x64: {  	_ =	shalt  }
0x65: {  	_ =	shalt  }
0x66: {  	_ =	shalt  }
0x67: {  	_ =	shalt  }
0x68: {  	_ =	shalt  }
0x69: {  	_ =	shalt  }
0x6a: {  	_ =	shalt  }
0x6b: {  	_ =	shalt  }
0x6c: {  	_ =	shalt  }
0x6d: {  	_ =	shalt  }
0x6e: {  	_ =	shalt  }
0x6f: {  	_ =	shalt  }
0x70: {  	_ =	shalt  }
0x71: {  	_ =	shalt  }
0x72: {  	_ =	shalt  }
0x73: {  	_ =	shalt  }
0x74: {  	_ =	shalt  }
0x75: {  	_ =	shalt  }
0x76: {  	_ =	shalt  }
0x77: {  	_ =	shalt  }
0x78: {  	_ =	shalt  }
0x79: {  	_ =	shalt  }
0x7a: {  	_ =	shalt  }
0x7b: {  	_ =	shalt  }
0x7c: {  	_ =	shalt  }
0x7d: {  	_ =	shalt  }
0x7e: {  	_ =	shalt  }
0x7f: {  	_ =	shalt  }
0x80: {  	_ =	shalt  }
0x81: {  	_ =	shalt  }
0x82: {  	_ =	shalt  }
0x83: {  	_ =	shalt  }
0x84: {  	_ =	shalt  }
0x85: {  	_ =	shalt  }
0x86: {  	_ =	shalt  }
0x87: {  	_ =	shalt  }
.Lfunc_end0:
.L_simem_size_0:
called_computation_lowered:
.L_overlay_start_0:
0x88: {  	s2 =	sld [smem:$0x3FD9]  }
0x89: {  	s3 =	sld [smem:$0x3FFE];
	_ =	sdelay $0x1  }
0x8a: {  	s1 =	srdreg.scid  }
0x8b: {  	s0 =	sand.u32 $0x1, s1  }
0x8c: {  	s17 =	sshll.u32 s0, $0xA;
	s2 =	sadd.s32 s3, s2  }
0x8d: {  	s2 =	sadd.s32 s2, s17  }
0x8e: {  	[smem:$0x3FC4] =	sst s2  }
0x8f: {  	_ = 	snop  }
0x90: {  	s2 =	sld [smem:$0x3FD0];
	(tm) =	ssettm $0x1  }
0x91: {  	s18 =	sld [smem:$0x3FFB];
	_ =	sdelay $0x3  }
0x92: {  	_ =	strace s18  }
0x93: {  	s3 =	sld [smem:$0x3FFC];
	_ =	sdelay $0x3  }
0x94: {  	_ =	strace s3  }
0x95: {  	s3 =	sld [smem:$0x3FFD];
	_ =	sdelay $0x3  }
0x96: {  	_ =	strace s3  }
0x97: {  	_ =	strace $0x8FFFFFFF  }
0x98: {  	s19 =	sld [smem:$0x3FDB];
	_ =	sdelay $0x1  }
0x99: {  	s4 =	simm.s32 $_scs_section_size  }
0x9a: {  	s5 =	simm.s32 $_size__tile_overlayer_lowered;
	s6 =	simm.s32 $_tile_overlayer_lowered  }
0x9b: {  	s22 =	simm.s32 $0x1BFF;
	s21 =	sshll.u32 s6, $0x1;
	s3 =	sadd.s32 s4, s19  }
0x9c: {  	s7 =	simm.s32 $0x0;
	s20 =	sshll.u32 s5, $0x1;
	s5 =	sadd.s32 s21, s3  }
0x9d: {  	[timem:s7], [sflag:s22] =	dma.local [hbm:s5], s20  }
0x9e: {  	_ =	swait.ge [sflag:s22], s20  }
0x9f: {  	s4 =	ssub.s32 $0x0, s20;
	[sflag:s22] =	ssyncset.done $0x0  }
0xa0: {  	[sflag:s22] =	ssyncadd.s32 s4;
	_ =	sdelay $0x1  }
0xa1: {  	s23 =	simm.s32 $0x1B8B  }
0xa2: {  	_ =	swait.ge [sflag:s23], $0x1  }
0xa3: {  	[sflag:s23] =	ssyncset.done $0x0  }
0xa4: {  	s25 =	simm.s32 $0x1B8E;
	s24 =	sld [smem:$0x3FFE];
	[sflag:s23] =	ssyncadd.s32 $0xFFFFFFFF  }
0xa5: {  	s26 =	simm.s32 $execute0_lowered;
	[smem:$0x3FD2] =	sst s25  }
0xa6: {  	s5 =	sshll.u32 s26, $0x1;
	_ =	strace $0x80000046;
	[dreg:$0x1] =	wrdreg $0xFFFFFFFF  }
0xa7: {  	s28 =	simm.s32 $_size_execute0_lowered;
	s3 =	sadd.s32 s3, s5;
	[dreg:$0x0] =	wrdreg $0x0  }
0xa8: {  	s5 =	sshll.u32 s28, $0x1;
	[dreg:$0x2] =	wrdreg s3  }
0xa9: {  	[dreg:$0x3] =	wrdreg s5  }
0xaa: {  	[dreg:$0x4] =	wrdreg $0xC0  }
0xab: {  	_ =	task [dreg:s7], $0x5FFFF  }
0xac: {  	[dreg:$0x1] =	wrdreg $0xFFFFFFFF  }
0xad: {  	[dreg:$0x0] =	wrdreg $0x60  }
0xae: {  	[dreg:$0x2] =	wrdreg s2  }
0xaf: {  	[dreg:$0x3] =	wrdreg s24  }
0xb0: {  	[dreg:$0x4] =	wrdreg $0xB6000  }
0xb1: {  	[dreg:$0x5] =	wrdreg $0x9  }
0xb2: {  	_ =	task.clear_ibuf [dreg:s7], $0x6FFFF;
	_ =	strace $0x90000046  }
0xb3: {  	s29 =	simm.s32 $0x9;
	_ =	strace $0x80000048  }
0xb4: {  	_ =	swait.ge [sflag:s29], $0x1  }
0xb5: {  	[sflag:s29] =	ssyncadd.s32 $0xFFFFFFFF  }
0xb6: {  	_ =	strace $0x90000048  }
0xb7: {  	_ =	sfence  }
0xb8: {  	s30 =	sld [smem:$0x0];
	_ =	sdelay $0x2  }
0xb9: {  	s31 =	sshll.u32 s1, $0xD;
	s1 =	sshrl.u32 s1, $0x2  }
0xba: {  	s3 =	sand.u32 $0x4000, s31;
	s1 =	sadd.s32 s1, s30  }
0xbb: {  	s0 =	sor.u32 s3, s0;
	s1 =	sshll.u32 s1, $0x11  }
0xbc: {  	s0 =	sor.u32 s1, s0  }
0xbd: {  	s0 =	sadd.s32 $0x8F2B, s0  }
0xbe: {  	[sflag:s0] =	ssyncadd.remote.s32 $0x1  }
0xbf: {  	_ =	sfence.sel $0xFFFF  }
0xc0: {  	[dreg:$0x0] =	wrdreg $0xFFFFFFFF;
	(pc) =	sbr.abs _section_cstart, $3  }
0xc1: {  	[dreg:$0x1] =	wrdreg $0xFFFFFFFF  }
0xc2: {  	_ =	task.clear_ibuf [dreg:s7], $0x2FFFF;
	_ =	strace $0x9FFFFFFF  }
0xc3: {  	(tm) =	ssettm $0x7FFFFFFF  }
tec
execute0_lowered:
.L_overlay_start_1:
0x0: {  	(tag) =	ssettag $0x1  }
0x1: {  	s0 =	srdreg.scid;
	s10 =	stileid.u32  }
0x2: {  	s17 =	sand.u32 $0x1, s0;
	s11 =	smul.u32 $0x28, s10  }
0x3: {  	s16 =	sor.u32 $0x10, s10;
	s1 =	smul.u32 $0x2710, s17  }
0x4: {  	s15 =	sor.u32 $0x20, s10;
	s12 =	smul.u32 $0x28, s16  }
0x5: {  	s7 =	sor.u32 $0x30, s10;
	s13 =	smul.u32 $0x28, s15  }
0x6: {  	s8 =	sor.u32 $0x40, s10;
	s14 =	smul.u32 $0x28, s7  }
0x7: {  	s9 =	sor.u32 $0x50, s10;
	s18 =	smul.u32 $0x28, s8  }
0x8: {  	s26 =	sor.u32 $0x60, s10;
	s5 =	sor.u32 $0x70, s10;
	s19 =	smul.u32 $0x28, s9  }
0x9: {  	s4 =	sor.u32 $0x80, s10;
	[smem:$0x7E9] =	sst s26;
	s20 =	smul.u32 $0x28, s26  }
0xa: {  	s3 =	sor.u32 $0x90, s10;
	[smem:$0x7EA] =	sst s5;
	s21 =	smul.u32 $0x28, s5  }
0xb: {  	s6 =	sor.u32 $0xB0, s10;
	[smem:$0x7EB] =	sst s4;
	s24 =	smul.u32 $0x28, s4  }
0xc: {  	p0 =	sgt.u32 s10, $0x9;
	[smem:$0x7EC] =	sst s3;
	s4 =	smul.u32 $0x28, s3  }
0xd: {  	s0 =	ssub.s32 $0x2, s17;
	[smem:$0x7EE] =	sst s6;
	s29 =	smul.u32 $0x28, s6  }
0xe: {  	s3 =	rddreg [dreg:$0x1];
	s7 =	smul.u32 $0x5000, s7;
	s2 =	sshrl.u32 s0, $0x1  }
0xf: {  	s8 =	smul.u32 $0x5000, s8;
	s0 =	ssub.s32 s0, s2;
	s22 =	sadd.s32 s11, s1  }
0x10: {  	s23 =	sadd.s32 s1, s12;
	s25 =	sadd.s32 s1, s13;
	s26 =	sadd.s32 s1, s14  }
0x11: {  	s18 =	sadd.s32 s1, s18;
	s19 =	sadd.s32 s1, s19;
	s20 =	sadd.s32 s1, s20  }
0x12: {  	s11 =	sor.u32 $0xC0, s10;
	s21 =	sadd.s32 s1, s21;
	s12 =	sor.u32 $0xD0, s10  }
0x13: {  	s24 =	sadd.s32 s1, s24;
	s13 =	sor.u32 $0xE0, s10;
	s30 =	smul.u32 $0x28, s11  }
0x14: {  	s4 =	sadd.s32 s1, s4;
	s14 =	sor.u32 $0xF0, s10;
	s31 =	smul.u32 $0x28, s12  }
0x15: {  	s29 =	sadd.s32 s1, s29;
	s2 =	sshll.u32 s17, $0x4;
	s5 =	smul.u32 $0x28, s13  }
0x16: {  	[smem:$0x7F7] =	sst s0;
	s0 =	sor.u32 $0xA0, s10;
	s6 =	smul.u32 $0x28, s14  }
0x17: {  	s22 =	sshll.u32 s22, $0x4;
	s2 =	sor.u32 s10, s2;
	s23 =	sshll.u32 s23, $0x4  }
0x18: {  	s25 =	sshll.u32 s25, $0x4;
	s26 =	sshll.u32 s26, $0x4;
	s18 =	sshll.u32 s18, $0x4  }
0x19: {  	[smem:$0x7ED] =	sst s0;
	s28 =	smul.u32 $0x28, s0;
	s0 =	sadd.s32 $0x1F200, s3  }
0x1a: {  	s19 =	sshll.u32 s19, $0x4;
	s4 =	sshll.u32 s4, $0x4;
	s22 =	sadd.s32 s0, s22  }
0x1b: {  	s30 =	sadd.s32 s1, s30;
	s26 =	sadd.s32 s0, s26;
	[dreg:$0x4] =	wrdreg s22  }
0x1c: {  	s31 =	sadd.s32 s1, s31;
	s18 =	sadd.s32 s0, s18;
	[dreg:$0x7] =	wrdreg s26  }
0x1d: {  	s5 =	sadd.s32 s1, s5;
	s19 =	sadd.s32 s0, s19;
	[dreg:$0x8] =	wrdreg s18  }
0x1e: {  	s6 =	sadd.s32 s1, s6;
	s4 =	sadd.s32 s0, s4;
	[dreg:$0x9] =	wrdreg s19  }
0x1f: {  	s28 =	sadd.s32 s1, s28;
	s1 =	simm.s32 $0x0;
	[dreg:$0xd] =	wrdreg s4  }
0x20: {  	s20 =	sshll.u32 s20, $0x4;
	s22 =	sadd.s32 s0, s23;
	[smem:$0x7FF] =	sst s1  }
0x21: {  	s23 =	sadd.s32 s0, s25;
	s25 =	sshll.u32 s24, $0x4;
	[dreg:$0x5] =	wrdreg s22  }
0x22: {  	s24 =	sshll.u32 s31, $0x4;
	s5 =	sshll.u32 s5, $0x4;
	[dreg:$0x6] =	wrdreg s23  }
0x23: {  	s22 =	sadd.s32 s0, s20;
	s23 =	sshll.u32 s21, $0x4;
	s26 =	sadd.s32 s0, s25  }
0x24: {  	s19 =	sshll.u32 s28, $0x4;
	s25 =	smul.u32 $0x27100, s17;
	s17 =	rddreg [dreg:$0x0]  }
0x25: {  	s20 =	sshll.u32 s29, $0x4;
	s21 =	sshll.u32 s30, $0x4;
	[dreg:$0xa] =	wrdreg s22  }
0x26: {  	s28 =	simm.s32 $0x5280;
	s18 =	sadd.s32 s0, s23;
	[dreg:$0xc] =	wrdreg s26  }
0x27: {  	s4 =	sadd.s32 s0, s19;
	s22 =	sadd.s32 s0, s20;
	s20 =	rddreg [dreg:$0x2]  }
0x28: {  	s26 =	sadd.s32 s0, s5;
	s19 =	smul.u32 $0x2710, s2;
	[dreg:$0xb] =	wrdreg s18  }
0x29: {  	s5 =	sshll.u32 s6, $0x4;
	s6 =	smul.u32 $0x2710, s10;
	[dreg:$0xe] =	wrdreg s4  }
0x2a: {  	s23 =	sadd.s32 s0, s21;
	s21 =	smul.u32 $0x500, s2;
	[dreg:$0xf] =	wrdreg s22  }
0x2b: {  	s29 =	simm.s32 $0x2;
	[dreg:$0x10] =	wrdreg s23;
	s22 =	smul.u32 $0x5000, s16  }
0x2c: {  	s4 =	sadd.s32 s0, s24;
	[dreg:$0x12] =	wrdreg s26;
	s23 =	smul.u32 $0x5000, s15  }
0x2d: {  	s0 =	sadd.s32 s0, s5;
	s24 =	smul.u32 $0x5000, s10;
	[dreg:$0x11] =	wrdreg s4  }
0x2e: {  	s30 =	simm.s32 $0x2A80;
	s16 =	smul.u32 $0x5000, s9;
	[dreg:$0x13] =	wrdreg s0  }
0x2f: {  	s26 =	sadd.s32 s6, s25;
	s0 =	sadd.s32 s21, s3;
	s15 =	sshrl.u32 s19, $0x3  }
0x30: {  	s21 =	sadd.s32 $0xAE00, s3;
	s25 =	sadd.s32 s15, s3;
	s3 =	sadd.s32 $0x14C00, s3  }
0x31: {  	_ =	strace $0x80000047;
	s5 =	sshrl.u32 s24, $0x2;
	[dreg:$0x14] =	wrdreg s3  }
0x32: {  	s2 =	sshrl.u32 s22, $0x2;
	s18 =	sshrl.u32 s23, $0x2;
	s22 =	sld [smem:$0x7E9]  }
0x33: {  	s23 =	sshrl.u32 s7, $0x2;
	s16 =	sshrl.u32 s16, $0x2;
	s24 =	sld [smem:$0x7EA]  }
0x34: {  	s6 =	sadd.s32 $0x1000, s25;
	s25 =	sshrl.u32 s8, $0x2;
	s8 =	sld [smem:$0x7EB]  }
0x35: {  	s31 =	sadd.s32 s18, s20;
	s18 =	sadd.s32 s23, s20;
	[dreg:$0x15] =	wrdreg s6  }
0x36: {  	s23 =	sadd.s32 s25, s20;
	s25 =	sld [smem:$0x7ED];
	s4 =	smul.u32 $0x5000, s22  }
0x37: {  	s0 =	sadd.s32 $0x15200, s0;
	s3 =	smul.u32 $0x5000, s24;
	s22 =	sld [smem:$0x7EC]  }
0x38: {  	s6 =	smul.u32 $0x5000, s8;
	s8 =	sadd.s32 s16, s20;
	s16 =	sld [smem:$0x7EE]  }
0x39: {  	s5 =	sadd.s32 s5, s20;
	s24 =	sshrl.u32 s4, $0x2;
	s4 =	smul.u32 $0x5000, s25  }
0x3a: {  	s9 =	sadd.s32 s2, s20;
	[smem:$0x7F6] =	sst s0;
	s7 =	smul.u32 $0x5000, s22  }
0x3b: {  	[dreg:$0x16] =	wrdreg s5;
	s5 =	sshrl.u32 s3, $0x2;
	s3 =	smul.u32 $0x5000, s16  }
0x3c: {  	[dreg:$0x18] =	wrdreg s31;
	s2 =	sadd.s32 s24, s20;
	s24 =	smul.u32 $0x5000, s11  }
0x3d: {  	[dreg:$0x19] =	wrdreg s18;
	s22 =	sshrl.u32 s6, $0x2;
	s6 =	smul.u32 $0x5000, s12  }
0x3e: {  	s10 =	simm.s32 $0x280;
	[dreg:$0x1b] =	wrdreg s8;
	s12 =	smul.u32 $0x5000, s13  }
0x3f: {  	s11 =	sadd.s32 $0x28, s19;
	[dreg:$0x1c] =	wrdreg s2;
	s2 =	sadd.s32 s5, s20  }
0x40: {  	s13 =	sadd.s32 $0x168, s26;
	[dreg:$0x1d] =	wrdreg s2;
	s2 =	sadd.s32 s22, s20  }
0x41: {  	s5 =	sshrl.u32 s7, $0x2;
	s7 =	sshrl.u32 s4, $0x2;
	s3 =	sshrl.u32 s3, $0x2  }
0x42: {  	s16 =	sshrl.u32 s24, $0x2;
	s22 =	smul.u32 $0x5000, s14;
	[dreg:$0x1e] =	wrdreg s2  }
0x43: {  	s2 =	sadd.s32 s5, s20;
	s25 =	sadd.s32 s16, s20;
	s16 =	sld [smem:$0x7F7]  }
0x44: {  	s24 =	sadd.s32 s3, s20;
	s3 =	sshrl.u32 s6, $0x2;
	[dreg:$0x1f] =	wrdreg s2  }
0x45: {  	s5 =	sshrl.u32 s12, $0x2;
	s12 =	sadd.s32 $0x78, s19;
	[smem:$0x7F0] =	sst s24  }
0x46: {  	s19 =	sadd.s32 $0x140, s26;
	s2 =	sadd.s32 s7, s20;
	[smem:$0x7F1] =	sst s25  }
0x47: {  	s7 =	smov.u32 s9;
	s6 =	sshrl.u32 s22, $0x2;
	s9 =	sadd.s32 s5, s20  }
0x48: {  	s5 =	smov.u32 s23;
	s22 =	sadd.s32 $0x118, s26;
	s23 =	sadd.s32 $0xF0, s26  }
0x49: {  	s24 =	sadd.s32 $0xC8, s26;
	[smem:$0x7EF] =	sst s2;
	s2 =	sadd.s32 s3, s20  }
0x4a: {  	[smem:$0x7F3] =	sst s9;
	s4 =	sadd.s32 s6, s20;
	s6 =	sadd.s32 s21, s15  }
0x4b: {  	s3 =	sshrl.u32 s12, $0x3;
	s15 =	sshrl.u32 s13, $0x3;
	[smem:$0x7F9] =	sst s24  }
0x4c: {  	s12 =	simm.s32 $0x8E00;
	s13 =	simm.s32 $0x4;
	[dreg:$0x17] =	wrdreg s7  }
0x4d: {  	s9 =	simm.s32 $0x200;
	s24 =	simm.s32 $0x28;
	[dreg:$0x1a] =	wrdreg s5  }
0x4e: {  	[smem:$0x7F2] =	sst s2;
	s2 =	sshrl.u32 s11, $0x3;
	s14 =	sadd.s32 s21, s3  }
0x4f: {  	s0 =	smax.u32 s16, $0x1;
	s3 =	sshrl.u32 s23, $0x3;
	[smem:$0x7FB] =	sst s6  }
0x50: {  	s25 =	sadd.s32 $0xA, s6;
	s26 =	sadd.s32 $0x14, s6;
	[smem:$0x7FD] =	sst s4  }
0x51: {  	s11 =	simm.s32 $0x80;
	s23 =	simm.s32 $0x180;
	[smem:$0x7F5] =	sst s14  }
0x52: {  	s2 =	sadd.s32 s21, s2;
	[smem:$0x7F8] =	sst s0;
	s14 =	sadd.s32 s15, s21  }
0x53: {  	s0 =	sshrl.u32 s19, $0x3;
	s19 =	sadd.s32 s3, s21;
	[smem:$0x7FA] =	sst s25  }
0x54: {  	[smem:$0x7FC] =	sst s26;
	s25 =	simm.s32 $0x1680;
	s26 =	simm.s32 $0x3E80  }
0x55: {  	[smem:$0x7F4] =	sst s2;
	s2 =	sshrl.u32 s22, $0x3;
	s15 =	sadd.s32 s0, s21  }
0x56: {  	v0 =	vimm.f32 $1.000000000e+00;
	s22 =	simm.s32 $0x1;
	s16 =	sadd.s32 s2, s21;
	s2 =	simm.s32 $0x0  }
.LBB2_1:
0x57: {  	[smem:$0x7E8] =	sst s2  }
0x58: {  	s0 =	rddreg [dreg:$0x14]  }
0x59: {  	[tilespmem:s12], [sflag:$0x4] =	stream.linear.gather [hbm4b:s0+s1], $0x2800, $0x38;
	[tilespmem:$0x1EE80] =	vst v63  }
0x5a: {  	_ =	swait.ge [sflag:s13], $0x2800  }
0x5b: {  	[sflag:s13] =	ssyncset.done $0x0  }
0x5c: {  	s3 =	simm.s32 $0x6680;
	s6 =	rddreg [dreg:$0x15];
	[sflag:s13] =	ssyncadd.s32 $0xFFFFD800  }
0x5d: {  	[tilespmem:s3], [sflag:$0x4] =	stream.linear.gather [hbm4b:s6+s1], $0x2710, $0x38;
	[tilespmem:$0x1EE80] =	vst v63  }
0x5e: {  	_ =	swait.ge [sflag:s13], $0x2710  }
0x5f: {  	[sflag:s13] =	ssyncset.done $0x0  }
0x60: {  	[sflag:s13] =	ssyncadd.s32 $0xFFFFD8F0  }
0x61: {  	[tilespmem:s10], [sflag:$0x4] =	stream.linear.gather [hbm4b:s0+s1], $0x1400, $0x38;
	[tilespmem:$0x1EE80] =	vst v63  }
0x62: {  	_ =	swait.ge [sflag:s13], $0x1400  }
0x63: {  	[sflag:s13] =	ssyncset.done $0x0  }
0x64: {  	s2 =	rddreg [dreg:$0x16];
	[sflag:s13] =	ssyncadd.s32 $0xFFFFEC00  }
0x65: {  	[spmem:s2] =	stream.linear.scatter [tilespmem:s10], [sflag:$0x4], $0x1400, $0x38;
	[tilespmem:$0x1EE80] =	vst v63  }
0x66: {  	_ =	swait.ge [sflag:s13], $0x1400  }
0x67: {  	[sflag:s13] =	ssyncset.done $0x0  }
0x68: {  	[sflag:s13] =	ssyncadd.s32 $0xFFFFEC00  }
0x69: {  	[spmem:s7] =	stream.linear.scatter [tilespmem:s10], [sflag:$0x4], $0x1400, $0x38;
	[tilespmem:$0x1EE80] =	vst v63  }
0x6a: {  	_ =	swait.ge [sflag:s13], $0x1400  }
0x6b: {  	[sflag:s13] =	ssyncset.done $0x0  }
0x6c: {  	[sflag:s13] =	ssyncadd.s32 $0xFFFFEC00  }
0x6d: {  	[spmem:s31] =	stream.linear.scatter [tilespmem:s10], [sflag:$0x4], $0x1400, $0x38;
	[tilespmem:$0x1EE80] =	vst v63  }
0x6e: {  	_ =	swait.ge [sflag:s13], $0x1400  }
0x6f: {  	[sflag:s13] =	ssyncset.done $0x0  }
0x70: {  	[sflag:s13] =	ssyncadd.s32 $0xFFFFEC00  }
0x71: {  	[spmem:s18] =	stream.linear.scatter [tilespmem:s10], [sflag:$0x4], $0x1400, $0x38;
	[tilespmem:$0x1EE80] =	vst v63  }
0x72: {  	_ =	swait.ge [sflag:s13], $0x1400  }
0x73: {  	[sflag:s13] =	ssyncset.done $0x0  }
0x74: {  	[sflag:s13] =	ssyncadd.s32 $0xFFFFEC00  }
0x75: {  	[spmem:s5] =	stream.linear.scatter [tilespmem:s10], [sflag:$0x4], $0x1400, $0x38;
	[tilespmem:$0x1EE80] =	vst v63  }
0x76: {  	_ =	swait.ge [sflag:s13], $0x1400  }
0x77: {  	[sflag:s13] =	ssyncset.done $0x0  }
0x78: {  	[sflag:s13] =	ssyncadd.s32 $0xFFFFEC00  }
0x79: {  	[spmem:s8] =	stream.linear.scatter [tilespmem:s10], [sflag:$0x4], $0x1400, $0x38;
	[tilespmem:$0x1EE80] =	vst v63  }
0x7a: {  	_ =	swait.ge [sflag:s13], $0x1400  }
0x7b: {  	[sflag:s13] =	ssyncset.done $0x0  }
0x7c: {  	s3 =	rddreg [dreg:$0x1c];
	[sflag:s13] =	ssyncadd.s32 $0xFFFFEC00  }
0x7d: {  	[spmem:s3] =	stream.linear.scatter [tilespmem:s10], [sflag:$0x4], $0x1400, $0x38;
	[tilespmem:$0x1EE80] =	vst v63  }
0x7e: {  	_ =	swait.ge [sflag:s13], $0x1400  }
0x7f: {  	[sflag:s13] =	ssyncset.done $0x0  }
0x80: {  	s5 =	rddreg [dreg:$0x1d];
	[sflag:s13] =	ssyncadd.s32 $0xFFFFEC00  }
0x81: {  	[spmem:s5] =	stream.linear.scatter [tilespmem:s10], [sflag:$0x4], $0x1400, $0x38;
	[tilespmem:$0x1EE80] =	vst v63  }
0x82: {  	_ =	swait.ge [sflag:s13], $0x1400  }
0x83: {  	[sflag:s13] =	ssyncset.done $0x0  }
0x84: {  	s6 =	rddreg [dreg:$0x1e];
	[sflag:s13] =	ssyncadd.s32 $0xFFFFEC00  }
0x85: {  	[spmem:s6] =	stream.linear.scatter [tilespmem:s10], [sflag:$0x4], $0x1400, $0x38;
	[tilespmem:$0x1EE80] =	vst v63  }
0x86: {  	_ =	swait.ge [sflag:s13], $0x1400  }
0x87: {  	[sflag:s13] =	ssyncset.done $0x0  }
0x88: {  	s7 =	rddreg [dreg:$0x1f];
	[sflag:s13] =	ssyncadd.s32 $0xFFFFEC00  }
0x89: {  	[spmem:s7] =	stream.linear.scatter [tilespmem:s10], [sflag:$0x4], $0x1400, $0x38;
	[tilespmem:$0x1EE80] =	vst v63  }
0x8a: {  	_ =	swait.ge [sflag:s13], $0x1400  }
0x8b: {  	s8 =	sld [smem:$0x7EF]  }
0x8c: {  	[sflag:s13] =	ssyncset.done $0x0  }
0x8d: {  	[sflag:s13] =	ssyncadd.s32 $0xFFFFEC00  }
0x8e: {  	[spmem:s8] =	stream.linear.scatter [tilespmem:s10], [sflag:$0x4], $0x1400, $0x38;
	[tilespmem:$0x1EE80] =	vst v63  }
0x8f: {  	_ =	swait.ge [sflag:s13], $0x1400  }
0x90: {  	s18 =	sld [smem:$0x7F0]  }
0x91: {  	[sflag:s13] =	ssyncset.done $0x0  }
0x92: {  	[sflag:s13] =	ssyncadd.s32 $0xFFFFEC00  }
0x93: {  	[spmem:s18] =	stream.linear.scatter [tilespmem:s10], [sflag:$0x4], $0x1400, $0x38;
	[tilespmem:$0x1EE80] =	vst v63  }
0x94: {  	_ =	swait.ge [sflag:s13], $0x1400  }
0x95: {  	s31 =	sld [smem:$0x7F1]  }
0x96: {  	[sflag:s13] =	ssyncset.done $0x0  }
0x97: {  	[sflag:s13] =	ssyncadd.s32 $0xFFFFEC00  }
0x98: {  	[spmem:s31] =	stream.linear.scatter [tilespmem:s10], [sflag:$0x4], $0x1400, $0x38;
	[tilespmem:$0x1EE80] =	vst v63  }
0x99: {  	_ =	swait.ge [sflag:s13], $0x1400  }
0x9a: {  	s2 =	sld [smem:$0x7F2]  }
0x9b: {  	[sflag:s13] =	ssyncset.done $0x0  }
0x9c: {  	[sflag:s13] =	ssyncadd.s32 $0xFFFFEC00  }
0x9d: {  	[spmem:s2] =	stream.linear.scatter [tilespmem:s10], [sflag:$0x4], $0x1400, $0x38;
	[tilespmem:$0x1EE80] =	vst v63  }
0x9e: {  	_ =	swait.ge [sflag:s13], $0x1400  }
0x9f: {  	s3 =	sld [smem:$0x7F3]  }
0xa0: {  	[sflag:s13] =	ssyncset.done $0x0  }
0xa1: {  	[sflag:s13] =	ssyncadd.s32 $0xFFFFEC00  }
0xa2: {  	[spmem:s3] =	stream.linear.scatter [tilespmem:s10], [sflag:$0x4], $0x1400, $0x38;
	[tilespmem:$0x1EE80] =	vst v63  }
0xa3: {  	_ =	swait.ge [sflag:s13], $0x1400  }
0xa4: {  	[sflag:s13] =	ssyncset.done $0x0  }
0xa5: {  	s0 =	simm.s32 @!p0 $0x280;
	[sflag:s13] =	ssyncadd.s32 $0xFFFFEC00  }
0xa6: {  	[spmem:s4] =	stream.linear.scatter @!p0 [tilespmem:s0], [sflag:$0x4], $0x1400, $0x38;
	[tilespmem:$0x1EE80] =	vst v63  }
0xa7: {  	s0 =	simm.s32 @!p0 $0x4  }
0xa8: {  	_ =	swait.ge @!p0 [sflag:s0], $0x1400  }
0xa9: {  	[sflag:s0] =	ssyncset.done @!p0 $0x0  }
0xaa: {  	[sflag:s0] =	ssyncadd.s32 @!p0 $0xFFFFEC00  }
0xab: {  	[bflag:$0x0] =	sbarrier.arrive $0xFFFF  }
0xac: {  	s5 =	sld [smem:$0x7FB];
	_ =	sdelay $0x1  }
0xad: {  	s6 =	sld [smem:$0x7F4]  }
0xae: {  	[tilespmem:s1], [sflag:$0x1] =	stream.linear.gather [hbm4b:s5+s1], $0x28, $0x38;
	[tilespmem:$0x1EE80] =	vst v63  }
0xaf: {  	s7 =	sld [smem:$0x7FA]  }
0xb0: {  	[tilespmem:s11], [sflag:$0x1] =	stream.linear.gather [hbm4b:s6+s1], $0x28, $0x38;
	[tilespmem:$0x1EE80] =	vst v63  }
0xb1: {  	s8 =	simm.s32 $0x100;
	s18 =	sld [smem:$0x7F5]  }
0xb2: {  	[tilespmem:s8], [sflag:$0x1] =	stream.linear.gather [hbm4b:s7+s1], $0x28, $0x38;
	[tilespmem:$0x1EE80] =	vst v63  }
0xb3: {  	s31 =	sld [smem:$0x7FC]  }
0xb4: {  	[tilespmem:s23], [sflag:$0x1] =	stream.linear.gather [hbm4b:s18+s1], $0x28, $0x38;
	[tilespmem:$0x1EE80] =	vst v63  }
0xb5: {  	s2 =	simm.s32 $0x0;
	s3 =	simm.s32 $0x0;
	s0 =	sld [smem:$0x7F9]  }
0xb6: {  	[tilespmem:s9], [sflag:$0x1] =	stream.linear.gather [hbm4b:s31+s1], $0x28, $0x38;
	[tilespmem:$0x1EE80] =	vst v63  }
.LBB2_2:
0xb7: {  	p1 =	seq.s32 s2, $0x0  }
0xb8: {  	s4 =	simm.s32 @p1 $0x1  }
0xb9: {  	_ =	swait.ge @p1 [sflag:s4], $0x28  }
0xba: {  	s5 =	simm.s32 @p1 $0x28;
	[sflag:s4] =	ssyncset.done @p1 $0x0  }
0xbb: {  	s6 =	simm.s32 @p1 $0x0;
	s7 =	simm.s32 @p1 $0x280;
	[sflag:s4] =	ssyncadd.s32 @p1 $0xFFFFFFD8  }
0xbc: {  	[tilespmem:s7], [sflag:$0x2] =	stream.indirect.gather @p1 [hbm4b:s17+s5], $0x80, s6, s5, $0xb8;
	[tilespmem:$0x1EE80] =	vst v63  }
0xbd: {  	s6 =	simm.s32 @!p1 $0x3  }
0xbe: {  	_ =	swait.ge @!p1 [sflag:s6], $0x1400  }
0xbf: {  	[sflag:s6] =	ssyncset.done @!p1 $0x0  }
0xc0: {  	s7 =	simm.s32 @!p1 $0x1;
	[sflag:s6] =	ssyncadd.s32 @!p1 $0xFFFFEC00  }
0xc1: {  	_ =	swait.ge @!p1 [sflag:s7], $0x28  }
0xc2: {  	s8 =	simm.s32 @!p1 $0x28;
	[sflag:s7] =	ssyncset.done @!p1 $0x0  }
0xc3: {  	s18 =	simm.s32 @!p1 $0x0;
	s31 =	simm.s32 @!p1 $0x280;
	[sflag:s7] =	ssyncadd.s32 @!p1 $0xFFFFFFD8  }
0xc4: {  	[tilespmem:s31], [sflag:$0x2] =	stream.indirect.gather @!p1 [hbm4b:s17+s8], $0x80, s18, s8, $0xb8;
	[tilespmem:$0x1EE80] =	vst v63  }
0xc5: {  	_ =	swait.ge @!p1 [sflag:s6], $0x1400  }
0xc6: {  	[sflag:s6] =	ssyncset.done @!p1 $0x0  }
0xc7: {  	[sflag:s6] =	ssyncadd.s32 @!p1 $0xFFFFEC00  }
0xc8: {  	_ =	swait.ge [sflag:s22], $0x28  }
0xc9: {  	[sflag:s22] =	ssyncset.done $0x0  }
0xca: {  	[sflag:s22] =	ssyncadd.s32 $0xFFFFFFD8  }
0xcb: {  	[tilespmem:s25], [sflag:$0x2] =	stream.indirect.gather [hbm4b:s17+s24], $0x80, s11, s24, $0xb8;
	[tilespmem:$0x1EE80] =	vst v63  }
0xcc: {  	_ =	swait.ge @p1 [sflag:s4], $0x28  }
0xcd: {  	[sflag:s4] =	ssyncset.done @p1 $0x0  }
0xce: {  	s18 =	simm.s32 @p1 $0x2A80;
	[sflag:s4] =	ssyncadd.s32 @p1 $0xFFFFFFD8;
	s4 =	simm.s32 @p1 $0x100  }
0xcf: {  	[tilespmem:s18], [sflag:$0x2] =	stream.indirect.gather @p1 [hbm4b:s17+s5], $0x80, s4, s5, $0xb8;
	[tilespmem:$0x1EE80] =	vst v63  }
0xd0: {  	_ =	swait.ge @!p1 [sflag:s6], $0x1400  }
0xd1: {  	[sflag:s6] =	ssyncset.done @!p1 $0x0  }
0xd2: {  	[sflag:s6] =	ssyncadd.s32 @!p1 $0xFFFFEC00  }
0xd3: {  	_ =	swait.ge @!p1 [sflag:s7], $0x28  }
0xd4: {  	[sflag:s7] =	ssyncset.done @!p1 $0x0  }
0xd5: {  	s4 =	simm.s32 @!p1 $0x100;
	s5 =	simm.s32 @!p1 $0x2A80;
	[sflag:s7] =	ssyncadd.s32 @!p1 $0xFFFFFFD8  }
0xd6: {  	[tilespmem:s5], [sflag:$0x2] =	stream.indirect.gather @!p1 [hbm4b:s17+s8], $0x80, s4, s8, $0xb8;
	[tilespmem:$0x1EE80] =	vst v63  }
0xd7: {  	_ =	swait.ge @!p1 [sflag:s6], $0x1400  }
0xd8: {  	[sflag:s6] =	ssyncset.done @!p1 $0x0  }
0xd9: {  	[sflag:s6] =	ssyncadd.s32 @!p1 $0xFFFFEC00  }
0xda: {  	_ =	swait.ge [sflag:s22], $0x28  }
0xdb: {  	[sflag:s22] =	ssyncset.done $0x0  }
0xdc: {  	[sflag:s22] =	ssyncadd.s32 $0xFFFFFFD8  }
0xdd: {  	[tilespmem:s26], [sflag:$0x2] =	stream.indirect.gather [hbm4b:s17+s24], $0x80, s23, s24, $0xb8;
	[tilespmem:$0x1EE80] =	vst v63  }
0xde: {  	_ =	swait.ge @!p1 [sflag:s6], $0x1400  }
0xdf: {  	[sflag:s6] =	ssyncset.done @!p1 $0x0  }
0xe0: {  	[sflag:s6] =	ssyncadd.s32 @!p1 $0xFFFFEC00  }
0xe1: {  	_ =	swait.ge [sflag:s22], $0x28  }
0xe2: {  	[sflag:s22] =	ssyncset.done $0x0  }
0xe3: {  	[sflag:s22] =	ssyncadd.s32 $0xFFFFFFD8  }
0xe4: {  	[tilespmem:s28], [sflag:$0x2] =	stream.indirect.gather [hbm4b:s17+s24], $0x80, s9, s24, $0xb8;
	[tilespmem:$0x1EE80] =	vst v63  }
0xe5: {  	_ =	swait.ge [sflag:s29], $0x1400  }
0xe6: {  	s18 =	sshra.s32 s3, $0x2;
	[sflag:s29] =	ssyncset.done $0x0  }
0xe7: {  	s4 =	sadd.s32 $0x6680, s18;
	p1 =	seq.s32 s2, $0x4C9;
	[sflag:s29] =	ssyncadd.s32 $0xFFFFEC00  }
0xe8: {  	[spmem:s20] =	stream.indirect.scatter.add.f32 [tilespmem:s10], [sflag:$0x3], $0x80, s4, s24, $0xb8;
	[tilespmem:$0x1EE80] =	vst v63  }
0xe9: {  	s4 =	simm.s32 @p1 $0x2  }
0xea: {  	_ =	swait.ge @p1 [sflag:s4], $0x1400  }
0xeb: {  	s5 =	simm.s32 @p1 $0x28;
	[sflag:s4] =	ssyncset.done @p1 $0x0  }
0xec: {  	s6 =	simm.s32 @p1 $0x8CF0;
	s7 =	simm.s32 @p1 $0x1680;
	[sflag:s4] =	ssyncadd.s32 @p1 $0xFFFFEC00  }
0xed: {  	[spmem:s20] =	stream.indirect.scatter.add.f32 @p1 [tilespmem:s7], [sflag:$0x3], $0x80, s6, s5, $0xb8;
	[tilespmem:$0x1EE80] =	vst v63  }
0xee: {  	s6 =	sshrl.u32 @!p1 s0, $0x3  }
0xef: {  	s7 =	simm.s32 @!p1 $0x0;
	s6 =	sadd.s32 @!p1 s21, s6  }
0xf0: {  	[tilespmem:s7], [sflag:$0x1] =	stream.linear.gather @!p1 [hbm4b:s6+s7], $0x28, $0x38;
	[tilespmem:$0x1EE80] =	vst v63  }
0xf1: {  	s6 =	simm.s32 @!p1 $0x2  }
0xf2: {  	_ =	swait.ge @!p1 [sflag:s6], $0x1400  }
0xf3: {  	s8 =	sshra.s32 @!p1 s3, $0x2;
	s18 =	simm.s32 @!p1 $0x28;
	[sflag:s6] =	ssyncset.done @!p1 $0x0  }
0xf4: {  	s31 =	simm.s32 @!p1 $0x1680;
	s8 =	sadd.s32 @!p1 $0x66A8, s8;
	[sflag:s6] =	ssyncadd.s32 @!p1 $0xFFFFEC00  }
0xf5: {  	[spmem:s20] =	stream.indirect.scatter.add.f32 @!p1 [tilespmem:s31], [sflag:$0x3], $0x80, s8, s18, $0xb8;
	[tilespmem:$0x1EE80] =	vst v63  }
0xf6: {  	s8 =	sadd.s32 @!p1 s2, s19;
	s31 =	simm.s32 @!p1 $0x80  }
0xf7: {  	[tilespmem:s31], [sflag:$0x1] =	stream.linear.gather @!p1 [hbm4b:s8+s7], $0x28, $0x38;
	[tilespmem:$0x1EE80] =	vst v63  }
0xf8: {  	s8 =	smov.u32 s3  }
0xf9: {  	s8 =	simm.s32 @p1 $0x9920;
	_ =	swait.ge [sflag:s29], $0x1400  }
0xfa: {  	[sflag:s29] =	ssyncset.done $0x0;
	s8 =	sshra.s32 s8, $0x2  }
0xfb: {  	[sflag:s29] =	ssyncadd.s32 $0xFFFFEC00;
	s31 =	sadd.s32 $0x66D0, s8  }
0xfc: {  	[spmem:s20] =	stream.indirect.scatter.add.f32 [tilespmem:s30], [sflag:$0x3], $0x80, s31, s24, $0xb8;
	[tilespmem:$0x1EE80] =	vst v63  }
0xfd: {  	_ =	swait.ge @p1 [sflag:s4], $0x1400  }
0xfe: {  	[sflag:s4] =	ssyncset.done @p1 $0x0  }
0xff: {  	s31 =	simm.s32 @p1 $0x3E80;
	[sflag:s4] =	ssyncadd.s32 @p1 $0xFFFFEC00;
	s4 =	sadd.s32 @p1 $0x66F8, s8  }
0x100: {  	[spmem:s20] =	stream.indirect.scatter.add.f32 @p1 [tilespmem:s31], [sflag:$0x3], $0x80, s4, s5, $0xb8;
	[tilespmem:$0x1EE80] =	vst v63  }
0x101: {  	s4 =	sadd.s32 @!p1 s2, s16;
	s5 =	simm.s32 @!p1 $0x100  }
0x102: {  	[tilespmem:s5], [sflag:$0x1] =	stream.linear.gather @!p1 [hbm4b:s4+s7], $0x28, $0x38;
	[tilespmem:$0x1EE80] =	vst v63  }
0x103: {  	_ =	swait.ge @!p1 [sflag:s6], $0x1400  }
0x104: {  	[sflag:s6] =	ssyncset.done @!p1 $0x0  }
0x105: {  	s4 =	sadd.s32 @!p1 $0x66F8, s8;
	s5 =	simm.s32 @!p1 $0x3E80;
	[sflag:s6] =	ssyncadd.s32 @!p1 $0xFFFFEC00  }
0x106: {  	[spmem:s20] =	stream.indirect.scatter.add.f32 @!p1 [tilespmem:s5], [sflag:$0x3], $0x80, s4, s18, $0xb8;
	[tilespmem:$0x1EE80] =	vst v63  }
0x107: {  	s4 =	sadd.s32 @!p1 s2, s15;
	s5 =	simm.s32 @!p1 $0x180  }
0x108: {  	[tilespmem:s5], [sflag:$0x1] =	stream.linear.gather @!p1 [hbm4b:s4+s7], $0x28, $0x38;
	[tilespmem:$0x1EE80] =	vst v63  }
.Ltmp0:
0x109: {  	_ = 	snop;
	(pc) =	sbr.rel @p1 .LBB2_4-.Ltmp0, $4  }
0x10a: {  	_ =	swait.ge [sflag:s29], $0x1400  }
0x10b: {  	[sflag:s29] =	ssyncset.done $0x0  }
0x10c: {  	s31 =	sadd.s32 $0x6720, s8;
	[sflag:s29] =	ssyncadd.s32 $0xFFFFEC00  }
0x10d: {  	[spmem:s20] =	stream.indirect.scatter.add.f32 [tilespmem:s28], [sflag:$0x3], $0x80, s31, s24, $0xb8;
	[tilespmem:$0x1EE80] =	vst v63  }
.Ltmp1:
0x10e: {  	(pc) =	sbr.rel .LBB2_2-.Ltmp1, $4  }
0x10f: {  	_ = 	snop  }
0x110: {  	s4 =	sadd.s32 s2, s14  }
0x111: {  	s3 =	sadd.s32 $0x320, s3;
	s2 =	sadd.s32 $0x19, s2;
	s0 =	sadd.s32 $0xC8, s0  }
0x112: {  	[tilespmem:s9], [sflag:$0x1] =	stream.linear.gather [hbm4b:s4+s1], $0x28, $0x38;
	[tilespmem:$0x1EE80] =	vst v63  }
.LBB2_4:
0x113: {  	s0 =	simm.s32 $0x3  }
0x114: {  	_ =	swait.ge [sflag:s0], $0x1400  }
0x115: {  	[sflag:s0] =	ssyncset.done $0x0  }
0x116: {  	[sflag:s0] =	ssyncadd.s32 $0xFFFFEC00  }
0x117: {  	_ =	swait.ge [sflag:s0], $0x1400  }
0x118: {  	[sflag:s0] =	ssyncset.done $0x0  }
0x119: {  	[sflag:s0] =	ssyncadd.s32 $0xFFFFEC00  }
0x11a: {  	_ =	swait.ge [sflag:s0], $0x1400  }
0x11b: {  	[sflag:s0] =	ssyncset.done $0x0  }
0x11c: {  	[sflag:s0] =	ssyncadd.s32 $0xFFFFEC00  }
0x11d: {  	_ =	swait.ge [sflag:s0], $0x1400  }
0x11e: {  	[sflag:s0] =	ssyncset.done $0x0  }
0x11f: {  	[sflag:s0] =	ssyncadd.s32 $0xFFFFEC00  }
0x120: {  	_ =	swait.ge [sflag:s0], $0x1400  }
0x121: {  	s3 =	rddreg [dreg:$0x16]  }
0x122: {  	s7 =	rddreg [dreg:$0x17]  }
0x123: {  	s31 =	rddreg [dreg:$0x18]  }
0x124: {  	s18 =	rddreg [dreg:$0x19]  }
0x125: {  	s2 =	simm.s32 $0x0;
	[sflag:s0] =	ssyncset.done $0x0;
	s5 =	rddreg [dreg:$0x1a]  }
0x126: {  	s8 =	rddreg [dreg:$0x1b];
	[sflag:s0] =	ssyncadd.s32 $0xFFFFEC00;
	s0 =	simm.s32 $0x40  }
.LBB2_5:
0x127: {  	p1 =	sne.s32 s0, $0x9C00;
	v1 =	vld [tilespmem:s2+$0x6680];
	_ =	sdelay $0x3  }
.Ltmp2:
0x128: {  	(pc) =	sbr.rel @p1 .LBB2_5-.Ltmp2, $2  }
0x129: {  	_ =	sdelay $0x2  }
0x12a: {  	s2 =	sshra.s32 s0, $0x2;
	s0 =	sadd.s32 $0x40, s0;
	[tilespmem:v1+s12+$0x0] =	vst.idx.add.f32.msk $0xffff, v0  }
0x12b: {  	v1 =	vld [tilespmem:s2+$0x6680];
	_ =	sdelay $0x7  }
0x12c: {  	[tilespmem:v1+s12+$0x0] =	vst.idx.add.f32.msk $0xffff, v0  }
0x12d: {  	[bflag:$0x0] =	sbarrier.arrive $0xFFFF  }
0x12e: {  	[tilespmem:s10], [sflag:$0x4] =	stream.linear.gather [spmem:s3], $0x1400, $0x38;
	[tilespmem:$0x1EE80] =	vst v63  }
0x12f: {  	_ =	swait.ge [sflag:s13], $0x1400  }
0x130: {  	[sflag:s13] =	ssyncset.done $0x0  }
0x131: {  	s0 =	rddreg [dreg:$0x4];
	[sflag:s13] =	ssyncadd.s32 $0xFFFFEC00  }
0x132: {  	[hbm4b:s0+s1] =	stream.linear.scatter [tilespmem:s10], [sflag:$0x4], $0x1400, $0x38;
	[tilespmem:$0x1EE80] =	vst v63  }
0x133: {  	_ =	swait.ge [sflag:s13], $0x1400  }
0x134: {  	[sflag:s13] =	ssyncset.done $0x0  }
0x135: {  	[sflag:s13] =	ssyncadd.s32 $0xFFFFEC00  }
0x136: {  	[tilespmem:s10], [sflag:$0x4] =	stream.linear.gather [spmem:s7], $0x1400, $0x38;
	[tilespmem:$0x1EE80] =	vst v63  }
0x137: {  	_ =	swait.ge [sflag:s13], $0x1400  }
0x138: {  	[sflag:s13] =	ssyncset.done $0x0  }
0x139: {  	s3 =	rddreg [dreg:$0x5];
	[sflag:s13] =	ssyncadd.s32 $0xFFFFEC00  }
0x13a: {  	[hbm4b:s3+s1] =	stream.linear.scatter [tilespmem:s10], [sflag:$0x4], $0x1400, $0x38;
	[tilespmem:$0x1EE80] =	vst v63  }
0x13b: {  	_ =	swait.ge [sflag:s13], $0x1400  }
0x13c: {  	[sflag:s13] =	ssyncset.done $0x0  }
0x13d: {  	[sflag:s13] =	ssyncadd.s32 $0xFFFFEC00  }
0x13e: {  	[tilespmem:s10], [sflag:$0x4] =	stream.linear.gather [spmem:s31], $0x1400, $0x38;
	[tilespmem:$0x1EE80] =	vst v63  }
0x13f: {  	_ =	swait.ge [sflag:s13], $0x1400  }
0x140: {  	[sflag:s13] =	ssyncset.done $0x0  }
0x141: {  	s4 =	rddreg [dreg:$0x6];
	[sflag:s13] =	ssyncadd.s32 $0xFFFFEC00  }
0x142: {  	[hbm4b:s4+s1] =	stream.linear.scatter [tilespmem:s10], [sflag:$0x4], $0x1400, $0x38;
	[tilespmem:$0x1EE80] =	vst v63  }
0x143: {  	_ =	swait.ge [sflag:s13], $0x1400  }
0x144: {  	[sflag:s13] =	ssyncset.done $0x0  }
0x145: {  	[sflag:s13] =	ssyncadd.s32 $0xFFFFEC00  }
0x146: {  	[tilespmem:s10], [sflag:$0x4] =	stream.linear.gather [spmem:s18], $0x1400, $0x38;
	[tilespmem:$0x1EE80] =	vst v63  }
0x147: {  	_ =	swait.ge [sflag:s13], $0x1400  }
0x148: {  	[sflag:s13] =	ssyncset.done $0x0  }
0x149: {  	s6 =	rddreg [dreg:$0x7];
	[sflag:s13] =	ssyncadd.s32 $0xFFFFEC00  }
0x14a: {  	[hbm4b:s6+s1] =	stream.linear.scatter [tilespmem:s10], [sflag:$0x4], $0x1400, $0x38;
	[tilespmem:$0x1EE80] =	vst v63  }
0x14b: {  	_ =	swait.ge [sflag:s13], $0x1400  }
0x14c: {  	[sflag:s13] =	ssyncset.done $0x0  }
0x14d: {  	[sflag:s13] =	ssyncadd.s32 $0xFFFFEC00  }
0x14e: {  	[tilespmem:s10], [sflag:$0x4] =	stream.linear.gather [spmem:s5], $0x1400, $0x38;
	[tilespmem:$0x1EE80] =	vst v63  }
0x14f: {  	_ =	swait.ge [sflag:s13], $0x1400  }
0x150: {  	[sflag:s13] =	ssyncset.done $0x0  }
0x151: {  	s2 =	rddreg [dreg:$0x8];
	[sflag:s13] =	ssyncadd.s32 $0xFFFFEC00  }
0x152: {  	[hbm4b:s2+s1] =	stream.linear.scatter [tilespmem:s10], [sflag:$0x4], $0x1400, $0x38;
	[tilespmem:$0x1EE80] =	vst v63  }
0x153: {  	_ =	swait.ge [sflag:s13], $0x1400  }
0x154: {  	[sflag:s13] =	ssyncset.done $0x0  }
0x155: {  	[sflag:s13] =	ssyncadd.s32 $0xFFFFEC00  }
0x156: {  	[tilespmem:s10], [sflag:$0x4] =	stream.linear.gather [spmem:s8], $0x1400, $0x38;
	[tilespmem:$0x1EE80] =	vst v63  }
0x157: {  	_ =	swait.ge [sflag:s13], $0x1400  }
0x158: {  	[sflag:s13] =	ssyncset.done $0x0  }
0x159: {  	s3 =	rddreg [dreg:$0x9];
	[sflag:s13] =	ssyncadd.s32 $0xFFFFEC00  }
0x15a: {  	[hbm4b:s3+s1] =	stream.linear.scatter [tilespmem:s10], [sflag:$0x4], $0x1400, $0x38;
	[tilespmem:$0x1EE80] =	vst v63  }
0x15b: {  	_ =	swait.ge [sflag:s13], $0x1400  }
0x15c: {  	[sflag:s13] =	ssyncset.done $0x0  }
0x15d: {  	s4 =	rddreg [dreg:$0x1c];
	[sflag:s13] =	ssyncadd.s32 $0xFFFFEC00  }
0x15e: {  	[tilespmem:s10], [sflag:$0x4] =	stream.linear.gather [spmem:s4], $0x1400, $0x38;
	[tilespmem:$0x1EE80] =	vst v63  }
0x15f: {  	_ =	swait.ge [sflag:s13], $0x1400  }
0x160: {  	[sflag:s13] =	ssyncset.done $0x0  }
0x161: {  	s6 =	rddreg [dreg:$0xa];
	[sflag:s13] =	ssyncadd.s32 $0xFFFFEC00  }
0x162: {  	[hbm4b:s6+s1] =	stream.linear.scatter [tilespmem:s10], [sflag:$0x4], $0x1400, $0x38;
	[tilespmem:$0x1EE80] =	vst v63  }
0x163: {  	_ =	swait.ge [sflag:s13], $0x1400  }
0x164: {  	[sflag:s13] =	ssyncset.done $0x0  }
0x165: {  	s2 =	rddreg [dreg:$0x1d];
	[sflag:s13] =	ssyncadd.s32 $0xFFFFEC00  }
0x166: {  	[tilespmem:s10], [sflag:$0x4] =	stream.linear.gather [spmem:s2], $0x1400, $0x38;
	[tilespmem:$0x1EE80] =	vst v63  }
0x167: {  	_ =	swait.ge [sflag:s13], $0x1400  }
0x168: {  	[sflag:s13] =	ssyncset.done $0x0  }
0x169: {  	s3 =	rddreg [dreg:$0xb];
	[sflag:s13] =	ssyncadd.s32 $0xFFFFEC00  }
0x16a: {  	[hbm4b:s3+s1] =	stream.linear.scatter [tilespmem:s10], [sflag:$0x4], $0x1400, $0x38;
	[tilespmem:$0x1EE80] =	vst v63  }
0x16b: {  	_ =	swait.ge [sflag:s13], $0x1400  }
0x16c: {  	[sflag:s13] =	ssyncset.done $0x0  }
0x16d: {  	s4 =	rddreg [dreg:$0x1e];
	[sflag:s13] =	ssyncadd.s32 $0xFFFFEC00  }
0x16e: {  	[tilespmem:s10], [sflag:$0x4] =	stream.linear.gather [spmem:s4], $0x1400, $0x38;
	[tilespmem:$0x1EE80] =	vst v63  }
0x16f: {  	_ =	swait.ge [sflag:s13], $0x1400  }
0x170: {  	[sflag:s13] =	ssyncset.done $0x0  }
0x171: {  	s6 =	rddreg [dreg:$0xc];
	[sflag:s13] =	ssyncadd.s32 $0xFFFFEC00  }
0x172: {  	[hbm4b:s6+s1] =	stream.linear.scatter [tilespmem:s10], [sflag:$0x4], $0x1400, $0x38;
	[tilespmem:$0x1EE80] =	vst v63  }
0x173: {  	_ =	swait.ge [sflag:s13], $0x1400  }
0x174: {  	[sflag:s13] =	ssyncset.done $0x0  }
0x175: {  	s2 =	rddreg [dreg:$0x1f];
	[sflag:s13] =	ssyncadd.s32 $0xFFFFEC00  }
0x176: {  	[tilespmem:s10], [sflag:$0x4] =	stream.linear.gather [spmem:s2], $0x1400, $0x38;
	[tilespmem:$0x1EE80] =	vst v63  }
0x177: {  	_ =	swait.ge [sflag:s13], $0x1400  }
0x178: {  	[sflag:s13] =	ssyncset.done $0x0  }
0x179: {  	s3 =	rddreg [dreg:$0xd];
	[sflag:s13] =	ssyncadd.s32 $0xFFFFEC00  }
0x17a: {  	[hbm4b:s3+s1] =	stream.linear.scatter [tilespmem:s10], [sflag:$0x4], $0x1400, $0x38;
	[tilespmem:$0x1EE80] =	vst v63  }
0x17b: {  	_ =	swait.ge [sflag:s13], $0x1400  }
0x17c: {  	s4 =	sld [smem:$0x7EF]  }
0x17d: {  	[sflag:s13] =	ssyncset.done $0x0  }
0x17e: {  	[sflag:s13] =	ssyncadd.s32 $0xFFFFEC00  }
0x17f: {  	[tilespmem:s10], [sflag:$0x4] =	stream.linear.gather [spmem:s4], $0x1400, $0x38;
	[tilespmem:$0x1EE80] =	vst v63  }
0x180: {  	_ =	swait.ge [sflag:s13], $0x1400  }
0x181: {  	[sflag:s13] =	ssyncset.done $0x0  }
0x182: {  	s6 =	rddreg [dreg:$0xe];
	[sflag:s13] =	ssyncadd.s32 $0xFFFFEC00  }
0x183: {  	[hbm4b:s6+s1] =	stream.linear.scatter [tilespmem:s10], [sflag:$0x4], $0x1400, $0x38;
	[tilespmem:$0x1EE80] =	vst v63  }
0x184: {  	_ =	swait.ge [sflag:s13], $0x1400  }
0x185: {  	s2 =	sld [smem:$0x7F0]  }
0x186: {  	[sflag:s13] =	ssyncset.done $0x0  }
0x187: {  	[sflag:s13] =	ssyncadd.s32 $0xFFFFEC00  }
0x188: {  	[tilespmem:s10], [sflag:$0x4] =	stream.linear.gather [spmem:s2], $0x1400, $0x38;
	[tilespmem:$0x1EE80] =	vst v63  }
0x189: {  	_ =	swait.ge [sflag:s13], $0x1400  }
0x18a: {  	[sflag:s13] =	ssyncset.done $0x0  }
0x18b: {  	s3 =	rddreg [dreg:$0xf];
	[sflag:s13] =	ssyncadd.s32 $0xFFFFEC00  }
0x18c: {  	[hbm4b:s3+s1] =	stream.linear.scatter [tilespmem:s10], [sflag:$0x4], $0x1400, $0x38;
	[tilespmem:$0x1EE80] =	vst v63  }
0x18d: {  	_ =	swait.ge [sflag:s13], $0x1400  }
0x18e: {  	s4 =	sld [smem:$0x7F1]  }
0x18f: {  	[sflag:s13] =	ssyncset.done $0x0  }
0x190: {  	[sflag:s13] =	ssyncadd.s32 $0xFFFFEC00  }
0x191: {  	[tilespmem:s10], [sflag:$0x4] =	stream.linear.gather [spmem:s4], $0x1400, $0x38;
	[tilespmem:$0x1EE80] =	vst v63  }
0x192: {  	_ =	swait.ge [sflag:s13], $0x1400  }
0x193: {  	[sflag:s13] =	ssyncset.done $0x0  }
0x194: {  	s6 =	rddreg [dreg:$0x10];
	[sflag:s13] =	ssyncadd.s32 $0xFFFFEC00  }
0x195: {  	[hbm4b:s6+s1] =	stream.linear.scatter [tilespmem:s10], [sflag:$0x4], $0x1400, $0x38;
	[tilespmem:$0x1EE80] =	vst v63  }
0x196: {  	_ =	swait.ge [sflag:s13], $0x1400  }
0x197: {  	s2 =	sld [smem:$0x7F2]  }
0x198: {  	[sflag:s13] =	ssyncset.done $0x0  }
0x199: {  	[sflag:s13] =	ssyncadd.s32 $0xFFFFEC00  }
0x19a: {  	[tilespmem:s10], [sflag:$0x4] =	stream.linear.gather [spmem:s2], $0x1400, $0x38;
	[tilespmem:$0x1EE80] =	vst v63  }
0x19b: {  	_ =	swait.ge [sflag:s13], $0x1400  }
0x19c: {  	[sflag:s13] =	ssyncset.done $0x0  }
0x19d: {  	s3 =	rddreg [dreg:$0x11];
	[sflag:s13] =	ssyncadd.s32 $0xFFFFEC00  }
0x19e: {  	[hbm4b:s3+s1] =	stream.linear.scatter [tilespmem:s10], [sflag:$0x4], $0x1400, $0x38;
	[tilespmem:$0x1EE80] =	vst v63  }
0x19f: {  	_ =	swait.ge [sflag:s13], $0x1400  }
0x1a0: {  	s4 =	sld [smem:$0x7F3]  }
0x1a1: {  	[sflag:s13] =	ssyncset.done $0x0  }
0x1a2: {  	[sflag:s13] =	ssyncadd.s32 $0xFFFFEC00  }
0x1a3: {  	[tilespmem:s10], [sflag:$0x4] =	stream.linear.gather [spmem:s4], $0x1400, $0x38;
	[tilespmem:$0x1EE80] =	vst v63  }
0x1a4: {  	_ =	swait.ge [sflag:s13], $0x1400  }
0x1a5: {  	[sflag:s13] =	ssyncset.done $0x0  }
0x1a6: {  	s6 =	rddreg [dreg:$0x12];
	[sflag:s13] =	ssyncadd.s32 $0xFFFFEC00  }
0x1a7: {  	[hbm4b:s6+s1] =	stream.linear.scatter [tilespmem:s10], [sflag:$0x4], $0x1400, $0x38;
	[tilespmem:$0x1EE80] =	vst v63  }
0x1a8: {  	_ =	swait.ge [sflag:s13], $0x1400  }
0x1a9: {  	s6 =	sld [smem:$0x7FD]  }
0x1aa: {  	[sflag:s13] =	ssyncset.done $0x0  }
0x1ab: {  	s0 =	simm.s32 @!p0 $0x280;
	s2 =	simm.s32 @!p0 $0x4;
	[sflag:s13] =	ssyncadd.s32 $0xFFFFEC00  }
0x1ac: {  	[tilespmem:s0], [sflag:$0x4] =	stream.linear.gather @!p0 [spmem:s6], $0x1400, $0x38;
	[tilespmem:$0x1EE80] =	vst v63  }
0x1ad: {  	_ =	swait.ge @!p0 [sflag:s2], $0x1400  }
0x1ae: {  	[sflag:s2] =	ssyncset.done @!p0 $0x0  }
0x1af: {  	s3 =	simm.s32 @!p0 $0x0;
	s4 =	rddreg [dreg:$0x13];
	[sflag:s2] =	ssyncadd.s32 @!p0 $0xFFFFEC00  }
0x1b0: {  	[hbm4b:s4+s3] =	stream.linear.scatter @!p0 [tilespmem:s0], [sflag:$0x4], $0x1400, $0x38;
	[tilespmem:$0x1EE80] =	vst v63  }
0x1b1: {  	_ =	swait.ge @!p0 [sflag:s2], $0x1400  }
0x1b2: {  	[sflag:s2] =	ssyncset.done @!p0 $0x0  }
0x1b3: {  	[sflag:s2] =	ssyncadd.s32 @!p0 $0xFFFFEC00;
	s2 =	sld [smem:$0x7F6];
	_ =	sdelay $0x2  }
0x1b4: {  	[hbm4b:s2+s1] =	stream.linear.scatter [tilespmem:s12], [sflag:$0x4], $0x2800, $0x38;
	[tilespmem:$0x1EE80] =	vst v63  }
0x1b5: {  	_ =	swait.ge [sflag:s13], $0x2800  }
0x1b6: {  	s3 =	sld [smem:$0x7E8]  }
0x1b7: {  	s4 =	smov.u32 s6;
	s6 =	sld [smem:$0x7F8];
	_ =	sdelay $0x1  }
0x1b8: {  	s2 =	sadd.s32 $0x1, s3  }
0x1b9: {  	p1 =	sne.s32 s2, s6  }
.Ltmp3:
0x1ba: {  	_ = 	snop;
	(pc) =	sbr.rel @p1 .LBB2_1-.Ltmp3, $3  }
0x1bb: {  	_ =	sdelay $0x1  }
0x1bc: {  	[sflag:s13] =	ssyncset.done $0x0  }
0x1bd: {  	[sflag:s13] =	ssyncadd.s32 $0xFFFFD800  }
0x1be: {  	_ =	sfence.sel $0x180000  }
0x1bf: {  	[bflag:$0x0] =	sbarrier.arrive $0xFFFF  }
0x1c0: {  	_ =	strace $0x90000047  }
0x1c1: {  	s0 =	stileid.u32;
	[bflag:$0x2] =	sbarrier.arrive $0xFFFF  }
0x1c2: {  	p0 =	sne.s32 s0, $0x0;
	s0 =	rddreg [dreg:$0x3]  }
0x1c3: {  	s0 =	sadd.s32 @!p0 $0x100000, s0  }
0x1c4: {  	[sflag:s0] =	ssyncadd.tile.s32 @!p0 $0x1;
	_ =	shalt  }
.Lfunc_end2:
_tile_overlayer_lowered:
.L_overlay_start_2:
0x1c5: {  	(tag) =	ssettag $0x2  }
0x1c6: {  	s0 =	rddreg [dreg:$0x0];
	s2 =	stileid.u32  }
0x1c7: {  	s1 =	rddreg [dreg:$0x1];
	p0 =	sne.s32 s2, $0x0  }
0x1c8: {  	s3 =	rddreg [dreg:$0x2];
	[bflag:$0x3] =	sbarrier.arrive $0xFFFF;
	s2 =	simm.s32 @!p0 $0x1C04  }
0x1c9: {  	[timem:s3], [sflag:s2] =	dma.local @!p0 [hbm:s0], s1  }
0x1ca: {  	s0 =	simm.s32 @!p0 $0x4  }
0x1cb: {  	_ =	swait.ge @!p0 [sflag:s0], s1  }
0x1cc: {  	s1 =	ssub.s32 @!p0 $0x0, s1;
	[sflag:s0] =	ssyncset.done @!p0 $0x0  }
0x1cd: {  	[sflag:s0] =	ssyncadd.s32 @!p0 s1  }
0x1ce: {  	[bflag:$0x3] =	sbarrier.arrive $0xFFFF  }
0x1cf: {  	_ =	shalt  }

</sc_bundles>
